<compile_context>
chip_gen: v7x
topology: tpu7x:2x2x1
jax: 0.10.2.dev20260603
libtpu: 0.0.44.dev20260713+nightly
codegen_flags: <defaults>
</compile_context>

<pallas_src>
import functools

import jax
import jax.numpy as jnp
from jax import lax
from jax.experimental import pallas as pl
from jax.experimental.pallas import tpu as pltpu
from jax.experimental.pallas import tpu_sc as plsc

B = 4
N = 2048
DIM = 256
K = 20
ROWS = 512

SC_CORES = 2
SC_SUBCORES = 16
SC_WORKERS = SC_CORES * SC_SUBCORES
CHUNK = 128


def _topk_body(rows_ref, pc_ref, sqr_ref, sqc_ref, idx_ref):
    rows = rows_ref[0]
    pc = pc_ref[0]
    inner = lax.dot_general(
        rows, pc, (((1,), (1,)), ((), ())),
        preferred_element_type=jnp.float32,
        precision=lax.Precision.DEFAULT,
    )
    sq_r = sqr_ref[0]
    sq_c = sqc_ref[0]
    d = (sq_r + (-2.0 * inner)) + sq_c

    iota_f = lax.broadcasted_iota(jnp.int32, (ROWS, N), 1).astype(jnp.float32)
    cols = []
    for _ in range(K):
        m = jnp.min(d, axis=1, keepdims=True)
        cand = jnp.where(d == m, iota_f, jnp.float32(N))
        im_f = jnp.min(cand, axis=1, keepdims=True)
        cols.append(im_f)
        d = jnp.where(iota_f == im_f, jnp.float32(jnp.inf), d)
    off = pl.program_id(0) * N
    idx = jnp.concatenate(cols, axis=1).astype(jnp.int32)
    idx_ref[0] = idx + off


def _tc_topk(point_cloud, square):
    return pl.pallas_call(
        _topk_body,
        grid=(B, N // ROWS),
        in_specs=[
            pl.BlockSpec((1, ROWS, DIM), lambda b, r: (b, r, 0)),
            pl.BlockSpec((1, N, DIM), lambda b, r: (b, 0, 0)),
            pl.BlockSpec((1, ROWS, 1), lambda b, r: (b, r, 0)),
            pl.BlockSpec((1, 1, N), lambda b, r: (b, 0, 0)),
        ],
        out_specs=pl.BlockSpec((1, ROWS, K), lambda b, r: (b, r, 0)),
        out_shape=jax.ShapeDtypeStruct((B, N, K), jnp.int32),
    )(point_cloud, point_cloud, square, square.reshape(B, 1, N))


def _sc_gather(table, idx_flat):
    total = idx_flat.shape[0]
    per_w = total // SC_WORKERS
    n_pairs = per_w // (2 * CHUNK)
    mesh = plsc.VectorSubcoreMesh(core_axis_name="c", subcore_axis_name="s")

    @functools.partial(
        pl.kernel,
        mesh=mesh,
        out_type=jax.ShapeDtypeStruct((total, DIM), jnp.float32),
        compiler_params=pltpu.CompilerParams(use_tc_tiling_on_sc=True),
        scratch_types=[
            pltpu.VMEM((per_w,), jnp.int32),
            pltpu.VMEM((CHUNK, DIM), jnp.float32),
            pltpu.VMEM((CHUNK, DIM), jnp.float32),
            pltpu.SemaphoreType.DMA,
            pltpu.SemaphoreType.DMA,
            pltpu.SemaphoreType.DMA,
            pltpu.SemaphoreType.DMA,
        ],
    )
    def gather_kernel(table_hbm, idx_hbm, out_hbm, idx_v, rows0, rows1,
                      g0, g1, s0, s1):
        wid = lax.axis_index("s") * SC_CORES + lax.axis_index("c")
        base = wid * per_w
        pltpu.sync_copy(idx_hbm.at[pl.ds(base, per_w)], idx_v)

        def gather(c, buf, sem):
            return pltpu.make_async_copy(
                table_hbm.at[idx_v.at[pl.ds(c * CHUNK, CHUNK)]], buf, sem)

        def store(c, buf, sem):
            return pltpu.make_async_copy(
                buf, out_hbm.at[pl.ds(base + c * CHUNK, CHUNK)], sem)

        gather(0, rows0, g0).start()

        @pl.loop(0, n_pairs)
        def _(i):
            c0 = 2 * i
            c1 = c0 + 1
            gather(c0, rows0, g0).wait()

            @pl.when(i > 0)
            def _():
                store(c1 - 2, rows1, s1).wait()

            gather(c1, rows1, g1).start()
            store(c0, rows0, s0).start()
            gather(c1, rows1, g1).wait()
            store(c0, rows0, s0).wait()

            @pl.when(i < n_pairs - 1)
            def _():
                gather(c0 + 2, rows0, g0).start()

            store(c1, rows1, s1).start()

        store(per_w // CHUNK - 1, rows1, s1).wait()

    return gather_kernel(table, idx_flat)


def kernel(point_cloud):
    square = jnp.sum(jnp.square(point_cloud), axis=-1, keepdims=True)
    nn_idx = _tc_topk(point_cloud, square)
    rows = _sc_gather(point_cloud.reshape(B * N, DIM), nn_idx.reshape(-1))
    return rows.reshape(B, N, K, DIM)

# --- scband reference (transcript-rebuilt; emitter-appended) ---
"""Pipeline reference for scband-knn-32023276159481 (READ-ONLY COPY).

The authoritative reference and input builder live on the scoring server;
editing this copy changes nothing except your own understanding.
"""

import jax, jax.numpy as jnp
import numpy as np

K_NEIGHBORS = 20

def setup_inputs(seed: int = 0) -> dict:
    key = jax.random.key(seed)
    point_cloud = jax.random.normal(key, (4, 2048, 256), dtype=jnp.float32)
    return {"point_cloud": point_cloud}

def reference(point_cloud):
    # pairwise squared-distance matrix: ||a||^2 - 2 a.b + ||b||^2
    pc_t = jnp.transpose(point_cloud, (0, 2, 1))
    inner = jnp.matmul(point_cloud, pc_t)
    inner = -2.0 * inner
    square = jnp.sum(jnp.square(point_cloud), axis=-1, keepdims=True)
    square_t = jnp.transpose(square, (0, 2, 1))
    adj_matrix = square + inner + square_t
    neg_adj = -adj_matrix
    _, nn_idx = jax.lax.top_k(neg_adj, K_NEIGHBORS)
    B, N, D = point_cloud.shape
    idx_ = (jnp.arange(B) * N).reshape(-1, 1, 1)
    point_cloud_flat = point_cloud.reshape(-1, D)
    point_cloud_neighbors = jnp.take(point_cloud_flat, nn_idx + idx_, axis=0)
    return point_cloud_neighbors

if __name__ == "__main__":
    import jax
    _d = setup_inputs()
    print(jax.jit(kernel)(*tuple(_d.values())))

</pallas_src>

<mosaic_0001>
#map = affine_map<(d0, d1) -> (0, 0)>
#map1 = affine_map<(d0, d1) -> (0)>
module attributes {stable_mosaic.version = 14 : i64} {
  func.func @gather_kernel(%arg0: i32, %arg1: i32, %arg2: memref<8192x256xf32, #tpu.memory_space<hbm>>, %arg3: memref<163840xi32, #tpu.memory_space<hbm>>, %arg4: memref<163840x256xf32, #tpu.memory_space<hbm>>, %arg5: memref<5120xi32, #tpu.memory_space<vmem>>, %arg6: memref<128x256xf32, #tpu.memory_space<vmem>>, %arg7: memref<128x256xf32, #tpu.memory_space<vmem>>, %arg8: memref<!tpu.dma_semaphore, #tpu.memory_space<semaphore_mem>>, %arg9: memref<!tpu.dma_semaphore, #tpu.memory_space<semaphore_mem>>, %arg10: memref<!tpu.dma_semaphore, #tpu.memory_space<semaphore_mem>>, %arg11: memref<!tpu.dma_semaphore, #tpu.memory_space<semaphore_mem>>) attributes {dimension_semantics = [#tpu.dimension_semantics<core_parallel>, #tpu.dimension_semantics<subcore_parallel>], iteration_bounds = array<i64: 2, 16>, scalar_prefetch = 0 : i64, scratch_operands = 7 : i64, tpu.core_type = #tpu.core_type<sc_vector_subcore>, window_params = [{transform_indices = #map}, {transform_indices = #map1}, {transform_indices = #map}]} {
    %mul3A = arith.constant 2 : i32
    %mul3A_0 = arith.muli %arg1, %mul3A : i32
    %add3A = arith.addi %mul3A_0, %arg0 : i32
    %mul3A_1 = arith.constant 5120 : i32
    %mul3A_2 = arith.muli %add3A, %mul3A_1 : i32
    "tpu.region"() ({
      %run_scoped3A = tpu.sem_alloc : memref<!tpu.dma_semaphore, #tpu.memory_space<semaphore_mem>>
      %dma_start3A_16 = tpu.memref_slice %arg3[%mul3A_2] : memref<163840xi32, #tpu.memory_space<hbm>> -> memref<5120xi32, #tpu.memory_space<hbm>>
      %dma_start3A_17 = tpu.memref_slice %arg3[%mul3A_2] : memref<163840xi32, #tpu.memory_space<hbm>> -> memref<5120xi32, #tpu.memory_space<hbm>>
      tpu.enqueue_dma source(%dma_start3A_17 : memref<5120xi32, #tpu.memory_space<hbm>>) target(%arg5 : memref<5120xi32, #tpu.memory_space<vmem>>) target_semaphore(%run_scoped3A : memref<!tpu.dma_semaphore, #tpu.memory_space<semaphore_mem>>)
      %dma_wait3A_18 = tpu.memref_slice %arg3[%mul3A_2] : memref<163840xi32, #tpu.memory_space<hbm>> -> memref<5120xi32, #tpu.memory_space<hbm>>
      %dma_wait3A_19 = tpu.memref_slice %arg3[%mul3A_2] : memref<163840xi32, #tpu.memory_space<hbm>> -> memref<5120xi32, #tpu.memory_space<hbm>>
      tpu.wait_dma2 semaphore(%run_scoped3A : memref<!tpu.dma_semaphore, #tpu.memory_space<semaphore_mem>>) src(%dma_wait3A_19 : memref<5120xi32, #tpu.memory_space<hbm>>) dst(%arg5 : memref<5120xi32, #tpu.memory_space<vmem>>)
      tpu.yield
    }) : () -> ()
    %dma_start3A = arith.constant 0 : i32
    %dma_start3A_3 = tpu.memref_slice %arg5[%dma_start3A] : memref<5120xi32, #tpu.memory_space<vmem>> -> memref<128xi32, #tpu.memory_space<vmem>>
    %dma_start3A_4 = arith.constant 0 : i32
    %dma_start3A_5 = arith.constant 0 : i32
    %dma_start3A_6 = tpu.memref_slice %arg2[%dma_start3A_4, %dma_start3A_5] : memref<8192x256xf32, #tpu.memory_space<hbm>> -> memref<8192x256xf32, #tpu.memory_space<hbm>>
    tpu.enqueue_indirect_dma source(%dma_start3A_6 : memref<8192x256xf32, #tpu.memory_space<hbm>>) target(%arg6 : memref<128x256xf32, #tpu.memory_space<vmem>>) offsets(%dma_start3A_3 : memref<128xi32, #tpu.memory_space<vmem>>) semaphore(%arg8 : memref<!tpu.dma_semaphore, #tpu.memory_space<semaphore_mem>>)
    %scan3A = arith.constant 0 : i32
    %scan3A_7 = arith.constant 20 : i32
    %scan3A_8 = arith.addi %scan3A, %scan3A_7 : i32
    %scan3A_9 = arith.constant 1 : i32
    scf.for %scan3A_16 = %scan3A to %scan3A_8 step %scan3A_9  : i32 {
      %mul3A_17 = arith.constant 1 : i32
      %mul3A_18 = arith.muli %scan3A_16, %mul3A_17 : i32
      %add3A_19 = arith.constant 0 : i32
      %add3A_20 = arith.addi %add3A_19, %mul3A_18 : i32
      %mul3A_21 = arith.constant 2 : i32
      %mul3A_22 = arith.muli %mul3A_21, %add3A_20 : i32
      %add3A_23 = arith.constant 1 : i32
      %add3A_24 = arith.addi %mul3A_22, %add3A_23 : i32
      %mul3A_25 = arith.constant 128 : i32
      %mul3A_26 = arith.muli %mul3A_22, %mul3A_25 : i32
      %dma_wait3A_27 = tpu.memref_slice %arg5[%mul3A_26] : memref<5120xi32, #tpu.memory_space<vmem>> -> memref<128xi32, #tpu.memory_space<vmem>>
      %dma_wait3A_28 = arith.constant 0 : i32
      %dma_wait3A_29 = arith.constant 0 : i32
      %dma_wait3A_30 = tpu.memref_slice %arg2[%dma_wait3A_28, %dma_wait3A_29] : memref<8192x256xf32, #tpu.memory_space<hbm>> -> memref<8192x256xf32, #tpu.memory_space<hbm>>
      tpu.wait_indirect_dma semaphore(%arg8 : memref<!tpu.dma_semaphore, #tpu.memory_space<semaphore_mem>>) src(%dma_wait3A_30 : memref<8192x256xf32, #tpu.memory_space<hbm>>) dst(%arg6 : memref<128x256xf32, #tpu.memory_space<vmem>>)
      %gt3A = arith.constant 0 : i32
      %gt3A_31 = arith.cmpi sgt, %add3A_20, %gt3A : i32
      %convert_element_type3A = arith.extui %gt3A_31 : i1 to i32
      %cond3A = arith.constant 0 : i32
      %cond3A_32 = arith.cmpi ne, %convert_element_type3A, %cond3A : i32
      scf.if %cond3A_32 {
        %sub3A = arith.constant 2 : i32
        %sub3A_70 = arith.subi %add3A_24, %sub3A : i32
        %mul3A_71 = arith.constant 128 : i32
        %mul3A_72 = arith.muli %sub3A_70, %mul3A_71 : i32
        %add3A_73 = arith.addi %mul3A_2, %mul3A_72 : i32
        %dma_wait3A_74 = arith.constant 0 : i32
        %dma_wait3A_75 = tpu.memref_slice %arg4[%add3A_73, %dma_wait3A_74] : memref<163840x256xf32, #tpu.memory_space<hbm>> -> memref<128x256xf32, #tpu.memory_space<hbm>>
        %dma_wait3A_76 = arith.constant 0 : i32
        %dma_wait3A_77 = tpu.memref_slice %arg4[%add3A_73, %dma_wait3A_76] : memref<163840x256xf32, #tpu.memory_space<hbm>> -> memref<128x256xf32, #tpu.memory_space<hbm>>
        tpu.wait_dma2 semaphore(%arg11 : memref<!tpu.dma_semaphore, #tpu.memory_space<semaphore_mem>>) src(%arg7 : memref<128x256xf32, #tpu.memory_space<vmem>>) dst(%dma_wait3A_77 : memref<128x256xf32, #tpu.memory_space<hbm>>)
      } else {
      }
      %mul3A_33 = arith.constant 128 : i32
      %mul3A_34 = arith.muli %add3A_24, %mul3A_33 : i32
      %dma_start3A_35 = tpu.memref_slice %arg5[%mul3A_34] : memref<5120xi32, #tpu.memory_space<vmem>> -> memref<128xi32, #tpu.memory_space<vmem>>
      %dma_start3A_36 = arith.constant 0 : i32
      %dma_start3A_37 = arith.constant 0 : i32
      %dma_start3A_38 = tpu.memref_slice %arg2[%dma_start3A_36, %dma_start3A_37] : memref<8192x256xf32, #tpu.memory_space<hbm>> -> memref<8192x256xf32, #tpu.memory_space<hbm>>
      tpu.enqueue_indirect_dma source(%dma_start3A_38 : memref<8192x256xf32, #tpu.memory_space<hbm>>) target(%arg7 : memref<128x256xf32, #tpu.memory_space<vmem>>) offsets(%dma_start3A_35 : memref<128xi32, #tpu.memory_space<vmem>>) semaphore(%arg9 : memref<!tpu.dma_semaphore, #tpu.memory_space<semaphore_mem>>)
      %mul3A_39 = arith.constant 128 : i32
      %mul3A_40 = arith.muli %mul3A_22, %mul3A_39 : i32
      %add3A_41 = arith.addi %mul3A_2, %mul3A_40 : i32
      %dma_start3A_42 = arith.constant 0 : i32
      %dma_start3A_43 = tpu.memref_slice %arg4[%add3A_41, %dma_start3A_42] : memref<163840x256xf32, #tpu.memory_space<hbm>> -> memref<128x256xf32, #tpu.memory_space<hbm>>
      %dma_start3A_44 = arith.constant 0 : i32
      %dma_start3A_45 = tpu.memref_slice %arg4[%add3A_41, %dma_start3A_44] : memref<163840x256xf32, #tpu.memory_space<hbm>> -> memref<128x256xf32, #tpu.memory_space<hbm>>
      tpu.enqueue_dma source(%arg6 : memref<128x256xf32, #tpu.memory_space<vmem>>) target(%dma_start3A_45 : memref<128x256xf32, #tpu.memory_space<hbm>>) target_semaphore(%arg10 : memref<!tpu.dma_semaphore, #tpu.memory_space<semaphore_mem>>)
      %mul3A_46 = arith.constant 128 : i32
      %mul3A_47 = arith.muli %add3A_24, %mul3A_46 : i32
      %dma_wait3A_48 = tpu.memref_slice %arg5[%mul3A_47] : memref<5120xi32, #tpu.memory_space<vmem>> -> memref<128xi32, #tpu.memory_space<vmem>>
      %dma_wait3A_49 = arith.constant 0 : i32
      %dma_wait3A_50 = arith.constant 0 : i32
      %dma_wait3A_51 = tpu.memref_slice %arg2[%dma_wait3A_49, %dma_wait3A_50] : memref<8192x256xf32, #tpu.memory_space<hbm>> -> memref<8192x256xf32, #tpu.memory_space<hbm>>
      tpu.wait_indirect_dma semaphore(%arg9 : memref<!tpu.dma_semaphore, #tpu.memory_space<semaphore_mem>>) src(%dma_wait3A_51 : memref<8192x256xf32, #tpu.memory_space<hbm>>) dst(%arg7 : memref<128x256xf32, #tpu.memory_space<vmem>>)
      %mul3A_52 = arith.constant 128 : i32
      %mul3A_53 = arith.muli %mul3A_22, %mul3A_52 : i32
      %add3A_54 = arith.addi %mul3A_2, %mul3A_53 : i32
      %dma_wait3A_55 = arith.constant 0 : i32
      %dma_wait3A_56 = tpu.memref_slice %arg4[%add3A_54, %dma_wait3A_55] : memref<163840x256xf32, #tpu.memory_space<hbm>> -> memref<128x256xf32, #tpu.memory_space<hbm>>
      %dma_wait3A_57 = arith.constant 0 : i32
      %dma_wait3A_58 = tpu.memref_slice %arg4[%add3A_54, %dma_wait3A_57] : memref<163840x256xf32, #tpu.memory_space<hbm>> -> memref<128x256xf32, #tpu.memory_space<hbm>>
      tpu.wait_dma2 semaphore(%arg10 : memref<!tpu.dma_semaphore, #tpu.memory_space<semaphore_mem>>) src(%arg6 : memref<128x256xf32, #tpu.memory_space<vmem>>) dst(%dma_wait3A_58 : memref<128x256xf32, #tpu.memory_space<hbm>>)
      %lt3A = arith.constant 19 : i32
      %lt3A_59 = arith.cmpi slt, %add3A_20, %lt3A : i32
      %convert_element_type3A_60 = arith.extui %lt3A_59 : i1 to i32
      %cond3A_61 = arith.constant 0 : i32
      %cond3A_62 = arith.cmpi ne, %convert_element_type3A_60, %cond3A_61 : i32
      scf.if %cond3A_62 {
        %add3A_70 = arith.constant 2 : i32
        %add3A_71 = arith.addi %mul3A_22, %add3A_70 : i32
        %mul3A_72 = arith.constant 128 : i32
        %mul3A_73 = arith.muli %add3A_71, %mul3A_72 : i32
        %dma_start3A_74 = tpu.memref_slice %arg5[%mul3A_73] : memref<5120xi32, #tpu.memory_space<vmem>> -> memref<128xi32, #tpu.memory_space<vmem>>
        %dma_start3A_75 = arith.constant 0 : i32
        %dma_start3A_76 = arith.constant 0 : i32
        %dma_start3A_77 = tpu.memref_slice %arg2[%dma_start3A_75, %dma_start3A_76] : memref<8192x256xf32, #tpu.memory_space<hbm>> -> memref<8192x256xf32, #tpu.memory_space<hbm>>
        tpu.enqueue_indirect_dma source(%dma_start3A_77 : memref<8192x256xf32, #tpu.memory_space<hbm>>) target(%arg6 : memref<128x256xf32, #tpu.memory_space<vmem>>) offsets(%dma_start3A_74 : memref<128xi32, #tpu.memory_space<vmem>>) semaphore(%arg8 : memref<!tpu.dma_semaphore, #tpu.memory_space<semaphore_mem>>)
      } else {
      }
      %mul3A_63 = arith.constant 128 : i32
      %mul3A_64 = arith.muli %add3A_24, %mul3A_63 : i32
      %add3A_65 = arith.addi %mul3A_2, %mul3A_64 : i32
      %dma_start3A_66 = arith.constant 0 : i32
      %dma_start3A_67 = tpu.memref_slice %arg4[%add3A_65, %dma_start3A_66] : memref<163840x256xf32, #tpu.memory_space<hbm>> -> memref<128x256xf32, #tpu.memory_space<hbm>>
      %dma_start3A_68 = arith.constant 0 : i32
      %dma_start3A_69 = tpu.memref_slice %arg4[%add3A_65, %dma_start3A_68] : memref<163840x256xf32, #tpu.memory_space<hbm>> -> memref<128x256xf32, #tpu.memory_space<hbm>>
      tpu.enqueue_dma source(%arg7 : memref<128x256xf32, #tpu.memory_space<vmem>>) target(%dma_start3A_69 : memref<128x256xf32, #tpu.memory_space<hbm>>) target_semaphore(%arg11 : memref<!tpu.dma_semaphore, #tpu.memory_space<semaphore_mem>>)
    }
    %scan3A_10 = arith.constant 20 : i32
    %add3A_11 = arith.constant 4992 : i32
    %add3A_12 = arith.addi %mul3A_2, %add3A_11 : i32
    %dma_wait3A = arith.constant 0 : i32
    %dma_wait3A_13 = tpu.memref_slice %arg4[%add3A_12, %dma_wait3A] : memref<163840x256xf32, #tpu.memory_space<hbm>> -> memref<128x256xf32, #tpu.memory_space<hbm>>
    %dma_wait3A_14 = arith.constant 0 : i32
    %dma_wait3A_15 = tpu.memref_slice %arg4[%add3A_12, %dma_wait3A_14] : memref<163840x256xf32, #tpu.memory_space<hbm>> -> memref<128x256xf32, #tpu.memory_space<hbm>>
    tpu.wait_dma2 semaphore(%arg11 : memref<!tpu.dma_semaphore, #tpu.memory_space<semaphore_mem>>) src(%arg7 : memref<128x256xf32, #tpu.memory_space<vmem>>) dst(%dma_wait3A_15 : memref<128x256xf32, #tpu.memory_space<hbm>>)
    return
  }
}

module attributes {stable_mosaic.version = 14 : i64} {
  func.func @_topk_body(%arg0: i32, %arg1: i32, %arg2: memref<1x512x256xf32, #tpu.memory_space<vmem>>, %arg3: memref<1x2048x256xf32, #tpu.memory_space<vmem>>, %arg4: memref<1x512x1xf32, #tpu.memory_space<vmem>>, %arg5: memref<1x1x2048xf32, #tpu.memory_space<vmem>>, %arg6: memref<1x512x20xi32, #tpu.memory_space<vmem>>) attributes {dimension_semantics = [#tpu.dimension_semantics<arbitrary>, #tpu.dimension_semantics<arbitrary>], iteration_bounds = array<i64: 4, 4>, scalar_prefetch = 0 : i64, scratch_operands = 0 : i64, tpu.core_type = #tpu.core_type<tc>, window_params = [{transform_indices = @transform_0, window_bounds = array<i64: 1, 512, 256>}, {transform_indices = @transform_1, window_bounds = array<i64: 1, 2048, 256>}, {transform_indices = @transform_2, window_bounds = array<i64: 1, 512, 1>}, {transform_indices = @transform_3, window_bounds = array<i64: 1, 1, 2048>}, {transform_indices = @transform_4, window_bounds = array<i64: 1, 512, 20>}]} {
    %get3A = arith.constant 0 : index
    %get3A_0 = arith.constant 0 : index
    %get3A_1 = arith.constant 0 : index
    %get3A_2 = vector.load %arg2[%get3A, %get3A_0, %get3A_1] : memref<1x512x256xf32, #tpu.memory_space<vmem>>, vector<1x512x256xf32>
    %get3A_3 = vector.shape_cast %get3A_2 : vector<1x512x256xf32> to vector<512x256xf32>
    %get3A_4 = arith.constant 0 : index
    %get3A_5 = arith.constant 0 : index
    %get3A_6 = arith.constant 0 : index
    %get3A_7 = vector.load %arg3[%get3A_4, %get3A_5, %get3A_6] : memref<1x2048x256xf32, #tpu.memory_space<vmem>>, vector<1x2048x256xf32>
    %get3A_8 = vector.shape_cast %get3A_7 : vector<1x2048x256xf32> to vector<2048x256xf32>
    %dot_general3A = arith.constant dense<0.000000e+00> : vector<512x2048xf32>
    %dot_general3A_9 = tpu.matmul %get3A_3, %get3A_8, %dot_general3A {dimension_numbers = #tpu.dot_dimension_numbers<[1], [1], [0], [0], [0, 0, 1, 0], [], []>, transpose_lhs_hint = false} : vector<512x256xf32>, vector<2048x256xf32>, vector<512x2048xf32> -> vector<512x2048xf32>
    %get3A_10 = arith.constant 0 : index
    %get3A_11 = arith.constant 0 : index
    %get3A_12 = arith.constant 0 : index
    %get3A_13 = vector.load %arg4[%get3A_10, %get3A_11, %get3A_12] : memref<1x512x1xf32, #tpu.memory_space<vmem>>, vector<1x512x1xf32>
    %get3A_14 = vector.shape_cast %get3A_13 : vector<1x512x1xf32> to vector<512x1xf32>
    %get3A_15 = arith.constant 0 : index
    %get3A_16 = arith.constant 0 : index
    %get3A_17 = arith.constant 0 : index
    %get3A_18 = vector.load %arg5[%get3A_15, %get3A_16, %get3A_17] : memref<1x1x2048xf32, #tpu.memory_space<vmem>>, vector<1x1x2048xf32>
    %get3A_19 = vector.shape_cast %get3A_18 : vector<1x1x2048xf32> to vector<1x2048xf32>
    %mul3A = arith.constant -2.000000e+00 : f32
    %mul3A_20 = vector.broadcast %mul3A : f32 to vector<512x2048xf32>
    %mul3A_21 = arith.mulf %mul3A_20, %dot_general3A_9 : vector<512x2048xf32>
    %add3A = vector.broadcast %get3A_14 : vector<512x1xf32> to vector<512x2048xf32>
    %add3A_22 = arith.addf %add3A, %mul3A_21 : vector<512x2048xf32>
    %add3A_23 = vector.broadcast %get3A_19 : vector<1x2048xf32> to vector<512x2048xf32>
    %add3A_24 = arith.addf %add3A_22, %add3A_23 : vector<512x2048xf32>
    %iota3A = tpu.iota {dimensions = array<i32: 1>} : vector<512x2048xi32>
    %convert_element_type3A = arith.sitofp %iota3A : vector<512x2048xi32> to vector<512x2048xf32>
    %reduce_min3A = arith.constant dense<0x7F800000> : vector<512xf32>
    %reduce_min3A_25 = vector.multi_reduction <minimumf>, %add3A_24, %reduce_min3A [1] : vector<512x2048xf32> to vector<512xf32>
    %broadcast_in_dim3A = vector.shape_cast %reduce_min3A_25 : vector<512xf32> to vector<512x1xf32>
    %eq3A = vector.broadcast %broadcast_in_dim3A : vector<512x1xf32> to vector<512x2048xf32>
    %eq3A_26 = arith.cmpf oeq, %add3A_24, %eq3A : vector<512x2048xf32>
    %jit3A = arith.constant 2.048000e+03 : f32
    %broadcast_in_dim3A_27 = vector.broadcast %jit3A : f32 to vector<512x2048xf32>
    %select_n3A = arith.select %eq3A_26, %convert_element_type3A, %broadcast_in_dim3A_27 : vector<512x2048xi1>, vector<512x2048xf32>
    %reduce_min3A_28 = arith.constant dense<0x7F800000> : vector<512xf32>
    %reduce_min3A_29 = vector.multi_reduction <minimumf>, %select_n3A, %reduce_min3A_28 [1] : vector<512x2048xf32> to vector<512xf32>
    %broadcast_in_dim3A_30 = vector.shape_cast %reduce_min3A_29 : vector<512xf32> to vector<512x1xf32>
    %eq3A_31 = vector.broadcast %broadcast_in_dim3A_30 : vector<512x1xf32> to vector<512x2048xf32>
    %eq3A_32 = arith.cmpf oeq, %convert_element_type3A, %eq3A_31 : vector<512x2048xf32>
    %jit3A_33 = arith.constant 0x7F800000 : f32
    %broadcast_in_dim3A_34 = vector.broadcast %jit3A_33 : f32 to vector<512x2048xf32>
    %select_n3A_35 = arith.select %eq3A_32, %broadcast_in_dim3A_34, %add3A_24 : vector<512x2048xi1>, vector<512x2048xf32>
    %reduce_min3A_36 = arith.constant dense<0x7F800000> : vector<512xf32>
    %reduce_min3A_37 = vector.multi_reduction <minimumf>, %select_n3A_35, %reduce_min3A_36 [1] : vector<512x2048xf32> to vector<512xf32>
    %broadcast_in_dim3A_38 = vector.shape_cast %reduce_min3A_37 : vector<512xf32> to vector<512x1xf32>
    %eq3A_39 = vector.broadcast %broadcast_in_dim3A_38 : vector<512x1xf32> to vector<512x2048xf32>
    %eq3A_40 = arith.cmpf oeq, %select_n3A_35, %eq3A_39 : vector<512x2048xf32>
    %jit3A_41 = arith.constant 2.048000e+03 : f32
    %broadcast_in_dim3A_42 = vector.broadcast %jit3A_41 : f32 to vector<512x2048xf32>
    %select_n3A_43 = arith.select %eq3A_40, %convert_element_type3A, %broadcast_in_dim3A_42 : vector<512x2048xi1>, vector<512x2048xf32>
    %reduce_min3A_44 = arith.constant dense<0x7F800000> : vector<512xf32>
    %reduce_min3A_45 = vector.multi_reduction <minimumf>, %select_n3A_43, %reduce_min3A_44 [1] : vector<512x2048xf32> to vector<512xf32>
    %broadcast_in_dim3A_46 = vector.shape_cast %reduce_min3A_45 : vector<512xf32> to vector<512x1xf32>
    %eq3A_47 = vector.broadcast %broadcast_in_dim3A_46 : vector<512x1xf32> to vector<512x2048xf32>
    %eq3A_48 = arith.cmpf oeq, %convert_element_type3A, %eq3A_47 : vector<512x2048xf32>
    %jit3A_49 = arith.constant 0x7F800000 : f32
    %broadcast_in_dim3A_50 = vector.broadcast %jit3A_49 : f32 to vector<512x2048xf32>
    %select_n3A_51 = arith.select %eq3A_48, %broadcast_in_dim3A_50, %select_n3A_35 : vector<512x2048xi1>, vector<512x2048xf32>
    %reduce_min3A_52 = arith.constant dense<0x7F800000> : vector<512xf32>
    %reduce_min3A_53 = vector.multi_reduction <minimumf>, %select_n3A_51, %reduce_min3A_52 [1] : vector<512x2048xf32> to vector<512xf32>
    %broadcast_in_dim3A_54 = vector.shape_cast %reduce_min3A_53 : vector<512xf32> to vector<512x1xf32>
    %eq3A_55 = vector.broadcast %broadcast_in_dim3A_54 : vector<512x1xf32> to vector<512x2048xf32>
    %eq3A_56 = arith.cmpf oeq, %select_n3A_51, %eq3A_55 : vector<512x2048xf32>
    %jit3A_57 = arith.constant 2.048000e+03 : f32
    %broadcast_in_dim3A_58 = vector.broadcast %jit3A_57 : f32 to vector<512x2048xf32>
    %select_n3A_59 = arith.select %eq3A_56, %convert_element_type3A, %broadcast_in_dim3A_58 : vector<512x2048xi1>, vector<512x2048xf32>
    %reduce_min3A_60 = arith.constant dense<0x7F800000> : vector<512xf32>
    %reduce_min3A_61 = vector.multi_reduction <minimumf>, %select_n3A_59, %reduce_min3A_60 [1] : vector<512x2048xf32> to vector<512xf32>
    %broadcast_in_dim3A_62 = vector.shape_cast %reduce_min3A_61 : vector<512xf32> to vector<512x1xf32>
    %eq3A_63 = vector.broadcast %broadcast_in_dim3A_62 : vector<512x1xf32> to vector<512x2048xf32>
    %eq3A_64 = arith.cmpf oeq, %convert_element_type3A, %eq3A_63 : vector<512x2048xf32>
    %jit3A_65 = arith.constant 0x7F800000 : f32
    %broadcast_in_dim3A_66 = vector.broadcast %jit3A_65 : f32 to vector<512x2048xf32>
    %select_n3A_67 = arith.select %eq3A_64, %broadcast_in_dim3A_66, %select_n3A_51 : vector<512x2048xi1>, vector<512x2048xf32>
    %reduce_min3A_68 = arith.constant dense<0x7F800000> : vector<512xf32>
    %reduce_min3A_69 = vector.multi_reduction <minimumf>, %select_n3A_67, %reduce_min3A_68 [1] : vector<512x2048xf32> to vector<512xf32>
    %broadcast_in_dim3A_70 = vector.shape_cast %reduce_min3A_69 : vector<512xf32> to vector<512x1xf32>
    %eq3A_71 = vector.broadcast %broadcast_in_dim3A_70 : vector<512x1xf32> to vector<512x2048xf32>
    %eq3A_72 = arith.cmpf oeq, %select_n3A_67, %eq3A_71 : vector<512x2048xf32>
    %jit3A_73 = arith.constant 2.048000e+03 : f32
    %broadcast_in_dim3A_74 = vector.broadcast %jit3A_73 : f32 to vector<512x2048xf32>
    %select_n3A_75 = arith.select %eq3A_72, %convert_element_type3A, %broadcast_in_dim3A_74 : vector<512x2048xi1>, vector<512x2048xf32>
    %reduce_min3A_76 = arith.constant dense<0x7F800000> : vector<512xf32>
    %reduce_min3A_77 = vector.multi_reduction <minimumf>, %select_n3A_75, %reduce_min3A_76 [1] : vector<512x2048xf32> to vector<512xf32>
    %broadcast_in_dim3A_78 = vector.shape_cast %reduce_min3A_77 : vector<512xf32> to vector<512x1xf32>
    %eq3A_79 = vector.broadcast %broadcast_in_dim3A_78 : vector<512x1xf32> to vector<512x2048xf32>
    %eq3A_80 = arith.cmpf oeq, %convert_element_type3A, %eq3A_79 : vector<512x2048xf32>
    %jit3A_81 = arith.constant 0x7F800000 : f32
    %broadcast_in_dim3A_82 = vector.broadcast %jit3A_81 : f32 to vector<512x2048xf32>
    %select_n3A_83 = arith.select %eq3A_80, %broadcast_in_dim3A_82, %select_n3A_67 : vector<512x2048xi1>, vector<512x2048xf32>
    %reduce_min3A_84 = arith.constant dense<0x7F800000> : vector<512xf32>
    %reduce_min3A_85 = vector.multi_reduction <minimumf>, %select_n3A_83, %reduce_min3A_84 [1] : vector<512x2048xf32> to vector<512xf32>
    %broadcast_in_dim3A_86 = vector.shape_cast %reduce_min3A_85 : vector<512xf32> to vector<512x1xf32>
    %eq3A_87 = vector.broadcast %broadcast_in_dim3A_86 : vector<512x1xf32> to vector<512x2048xf32>
    %eq3A_88 = arith.cmpf oeq, %select_n3A_83, %eq3A_87 : vector<512x2048xf32>
    %jit3A_89 = arith.constant 2.048000e+03 : f32
    %broadcast_in_dim3A_90 = vector.broadcast %jit3A_89 : f32 to vector<512x2048xf32>
    %select_n3A_91 = arith.select %eq3A_88, %convert_element_type3A, %broadcast_in_dim3A_90 : vector<512x2048xi1>, vector<512x2048xf32>
    %reduce_min3A_92 = arith.constant dense<0x7F800000> : vector<512xf32>
    %reduce_min3A_93 = vector.multi_reduction <minimumf>, %select_n3A_91, %reduce_min3A_92 [1] : vector<512x2048xf32> to vector<512xf32>
    %broadcast_in_dim3A_94 = vector.shape_cast %reduce_min3A_93 : vector<512xf32> to vector<512x1xf32>
    %eq3A_95 = vector.broadcast %broadcast_in_dim3A_94 : vector<512x1xf32> to vector<512x2048xf32>
    %eq3A_96 = arith.cmpf oeq, %convert_element_type3A, %eq3A_95 : vector<512x2048xf32>
    %jit3A_97 = arith.constant 0x7F800000 : f32
    %broadcast_in_dim3A_98 = vector.broadcast %jit3A_97 : f32 to vector<512x2048xf32>
    %select_n3A_99 = arith.select %eq3A_96, %broadcast_in_dim3A_98, %select_n3A_83 : vector<512x2048xi1>, vector<512x2048xf32>
    %reduce_min3A_100 = arith.constant dense<0x7F800000> : vector<512xf32>
    %reduce_min3A_101 = vector.multi_reduction <minimumf>, %select_n3A_99, %reduce_min3A_100 [1] : vector<512x2048xf32> to vector<512xf32>
    %broadcast_in_dim3A_102 = vector.shape_cast %reduce_min3A_101 : vector<512xf32> to vector<512x1xf32>
    %eq3A_103 = vector.broadcast %broadcast_in_dim3A_102 : vector<512x1xf32> to vector<512x2048xf32>
    %eq3A_104 = arith.cmpf oeq, %select_n3A_99, %eq3A_103 : vector<512x2048xf32>
    %jit3A_105 = arith.constant 2.048000e+03 : f32
    %broadcast_in_dim3A_106 = vector.broadcast %jit3A_105 : f32 to vector<512x2048xf32>
    %select_n3A_107 = arith.select %eq3A_104, %convert_element_type3A, %broadcast_in_dim3A_106 : vector<512x2048xi1>, vector<512x2048xf32>
    %reduce_min3A_108 = arith.constant dense<0x7F800000> : vector<512xf32>
    %reduce_min3A_109 = vector.multi_reduction <minimumf>, %select_n3A_107, %reduce_min3A_108 [1] : vector<512x2048xf32> to vector<512xf32>
    %broadcast_in_dim3A_110 = vector.shape_cast %reduce_min3A_109 : vector<512xf32> to vector<512x1xf32>
    %eq3A_111 = vector.broadcast %broadcast_in_dim3A_110 : vector<512x1xf32> to vector<512x2048xf32>
    %eq3A_112 = arith.cmpf oeq, %convert_element_type3A, %eq3A_111 : vector<512x2048xf32>
    %jit3A_113 = arith.constant 0x7F800000 : f32
    %broadcast_in_dim3A_114 = vector.broadcast %jit3A_113 : f32 to vector<512x2048xf32>
    %select_n3A_115 = arith.select %eq3A_112, %broadcast_in_dim3A_114, %select_n3A_99 : vector<512x2048xi1>, vector<512x2048xf32>
    %reduce_min3A_116 = arith.constant dense<0x7F800000> : vector<512xf32>
    %reduce_min3A_117 = vector.multi_reduction <minimumf>, %select_n3A_115, %reduce_min3A_116 [1] : vector<512x2048xf32> to vector<512xf32>
    %broadcast_in_dim3A_118 = vector.shape_cast %reduce_min3A_117 : vector<512xf32> to vector<512x1xf32>
    %eq3A_119 = vector.broadcast %broadcast_in_dim3A_118 : vector<512x1xf32> to vector<512x2048xf32>
    %eq3A_120 = arith.cmpf oeq, %select_n3A_115, %eq3A_119 : vector<512x2048xf32>
    %jit3A_121 = arith.constant 2.048000e+03 : f32
    %broadcast_in_dim3A_122 = vector.broadcast %jit3A_121 : f32 to vector<512x2048xf32>
    %select_n3A_123 = arith.select %eq3A_120, %convert_element_type3A, %broadcast_in_dim3A_122 : vector<512x2048xi1>, vector<512x2048xf32>
    %reduce_min3A_124 = arith.constant dense<0x7F800000> : vector<512xf32>
    %reduce_min3A_125 = vector.multi_reduction <minimumf>, %select_n3A_123, %reduce_min3A_124 [1] : vector<512x2048xf32> to vector<512xf32>
    %broadcast_in_dim3A_126 = vector.shape_cast %reduce_min3A_125 : vector<512xf32> to vector<512x1xf32>
    %eq3A_127 = vector.broadcast %broadcast_in_dim3A_126 : vector<512x1xf32> to vector<512x2048xf32>
    %eq3A_128 = arith.cmpf oeq, %convert_element_type3A, %eq3A_127 : vector<512x2048xf32>
    %jit3A_129 = arith.constant 0x7F800000 : f32
    %broadcast_in_dim3A_130 = vector.broadcast %jit3A_129 : f32 to vector<512x2048xf32>
    %select_n3A_131 = arith.select %eq3A_128, %broadcast_in_dim3A_130, %select_n3A_115 : vector<512x2048xi1>, vector<512x2048xf32>
    %reduce_min3A_132 = arith.constant dense<0x7F800000> : vector<512xf32>
    %reduce_min3A_133 = vector.multi_reduction <minimumf>, %select_n3A_131, %reduce_min3A_132 [1] : vector<512x2048xf32> to vector<512xf32>
    %broadcast_in_dim3A_134 = vector.shape_cast %reduce_min3A_133 : vector<512xf32> to vector<512x1xf32>
    %eq3A_135 = vector.broadcast %broadcast_in_dim3A_134 : vector<512x1xf32> to vector<512x2048xf32>
    %eq3A_136 = arith.cmpf oeq, %select_n3A_131, %eq3A_135 : vector<512x2048xf32>
    %jit3A_137 = arith.constant 2.048000e+03 : f32
    %broadcast_in_dim3A_138 = vector.broadcast %jit3A_137 : f32 to vector<512x2048xf32>
    %select_n3A_139 = arith.select %eq3A_136, %convert_element_type3A, %broadcast_in_dim3A_138 : vector<512x2048xi1>, vector<512x2048xf32>
    %reduce_min3A_140 = arith.constant dense<0x7F800000> : vector<512xf32>
    %reduce_min3A_141 = vector.multi_reduction <minimumf>, %select_n3A_139, %reduce_min3A_140 [1] : vector<512x2048xf32> to vector<512xf32>
    %broadcast_in_dim3A_142 = vector.shape_cast %reduce_min3A_141 : vector<512xf32> to vector<512x1xf32>
    %eq3A_143 = vector.broadcast %broadcast_in_dim3A_142 : vector<512x1xf32> to vector<512x2048xf32>
    %eq3A_144 = arith.cmpf oeq, %convert_element_type3A, %eq3A_143 : vector<512x2048xf32>
    %jit3A_145 = arith.constant 0x7F800000 : f32
    %broadcast_in_dim3A_146 = vector.broadcast %jit3A_145 : f32 to vector<512x2048xf32>
    %select_n3A_147 = arith.select %eq3A_144, %broadcast_in_dim3A_146, %select_n3A_131 : vector<512x2048xi1>, vector<512x2048xf32>
    %reduce_min3A_148 = arith.constant dense<0x7F800000> : vector<512xf32>
    %reduce_min3A_149 = vector.multi_reduction <minimumf>, %select_n3A_147, %reduce_min3A_148 [1] : vector<512x2048xf32> to vector<512xf32>
    %broadcast_in_dim3A_150 = vector.shape_cast %reduce_min3A_149 : vector<512xf32> to vector<512x1xf32>
    %eq3A_151 = vector.broadcast %broadcast_in_dim3A_150 : vector<512x1xf32> to vector<512x2048xf32>
    %eq3A_152 = arith.cmpf oeq, %select_n3A_147, %eq3A_151 : vector<512x2048xf32>
    %jit3A_153 = arith.constant 2.048000e+03 : f32
    %broadcast_in_dim3A_154 = vector.broadcast %jit3A_153 : f32 to vector<512x2048xf32>
    %select_n3A_155 = arith.select %eq3A_152, %convert_element_type3A, %broadcast_in_dim3A_154 : vector<512x2048xi1>, vector<512x2048xf32>
    %reduce_min3A_156 = arith.constant dense<0x7F800000> : vector<512xf32>
    %reduce_min3A_157 = vector.multi_reduction <minimumf>, %select_n3A_155, %reduce_min3A_156 [1] : vector<512x2048xf32> to vector<512xf32>
    %broadcast_in_dim3A_158 = vector.shape_cast %reduce_min3A_157 : vector<512xf32> to vector<512x1xf32>
    %eq3A_159 = vector.broadcast %broadcast_in_dim3A_158 : vector<512x1xf32> to vector<512x2048xf32>
    %eq3A_160 = arith.cmpf oeq, %convert_element_type3A, %eq3A_159 : vector<512x2048xf32>
    %jit3A_161 = arith.constant 0x7F800000 : f32
    %broadcast_in_dim3A_162 = vector.broadcast %jit3A_161 : f32 to vector<512x2048xf32>
    %select_n3A_163 = arith.select %eq3A_160, %broadcast_in_dim3A_162, %select_n3A_147 : vector<512x2048xi1>, vector<512x2048xf32>
    %reduce_min3A_164 = arith.constant dense<0x7F800000> : vector<512xf32>
    %reduce_min3A_165 = vector.multi_reduction <minimumf>, %select_n3A_163, %reduce_min3A_164 [1] : vector<512x2048xf32> to vector<512xf32>
    %broadcast_in_dim3A_166 = vector.shape_cast %reduce_min3A_165 : vector<512xf32> to vector<512x1xf32>
    %eq3A_167 = vector.broadcast %broadcast_in_dim3A_166 : vector<512x1xf32> to vector<512x2048xf32>
    %eq3A_168 = arith.cmpf oeq, %select_n3A_163, %eq3A_167 : vector<512x2048xf32>
    %jit3A_169 = arith.constant 2.048000e+03 : f32
    %broadcast_in_dim3A_170 = vector.broadcast %jit3A_169 : f32 to vector<512x2048xf32>
    %select_n3A_171 = arith.select %eq3A_168, %convert_element_type3A, %broadcast_in_dim3A_170 : vector<512x2048xi1>, vector<512x2048xf32>
    %reduce_min3A_172 = arith.constant dense<0x7F800000> : vector<512xf32>
    %reduce_min3A_173 = vector.multi_reduction <minimumf>, %select_n3A_171, %reduce_min3A_172 [1] : vector<512x2048xf32> to vector<512xf32>
    %broadcast_in_dim3A_174 = vector.shape_cast %reduce_min3A_173 : vector<512xf32> to vector<512x1xf32>
    %eq3A_175 = vector.broadcast %broadcast_in_dim3A_174 : vector<512x1xf32> to vector<512x2048xf32>
    %eq3A_176 = arith.cmpf oeq, %convert_element_type3A, %eq3A_175 : vector<512x2048xf32>
    %jit3A_177 = arith.constant 0x7F800000 : f32
    %broadcast_in_dim3A_178 = vector.broadcast %jit3A_177 : f32 to vector<512x2048xf32>
    %select_n3A_179 = arith.select %eq3A_176, %broadcast_in_dim3A_178, %select_n3A_163 : vector<512x2048xi1>, vector<512x2048xf32>
    %reduce_min3A_180 = arith.constant dense<0x7F800000> : vector<512xf32>
    %reduce_min3A_181 = vector.multi_reduction <minimumf>, %select_n3A_179, %reduce_min3A_180 [1] : vector<512x2048xf32> to vector<512xf32>
    %broadcast_in_dim3A_182 = vector.shape_cast %reduce_min3A_181 : vector<512xf32> to vector<512x1xf32>
    %eq3A_183 = vector.broadcast %broadcast_in_dim3A_182 : vector<512x1xf32> to vector<512x2048xf32>
    %eq3A_184 = arith.cmpf oeq, %select_n3A_179, %eq3A_183 : vector<512x2048xf32>
    %jit3A_185 = arith.constant 2.048000e+03 : f32
    %broadcast_in_dim3A_186 = vector.broadcast %jit3A_185 : f32 to vector<512x2048xf32>
    %select_n3A_187 = arith.select %eq3A_184, %convert_element_type3A, %broadcast_in_dim3A_186 : vector<512x2048xi1>, vector<512x2048xf32>
    %reduce_min3A_188 = arith.constant dense<0x7F800000> : vector<512xf32>
    %reduce_min3A_189 = vector.multi_reduction <minimumf>, %select_n3A_187, %reduce_min3A_188 [1] : vector<512x2048xf32> to vector<512xf32>
    %broadcast_in_dim3A_190 = vector.shape_cast %reduce_min3A_189 : vector<512xf32> to vector<512x1xf32>
    %eq3A_191 = vector.broadcast %broadcast_in_dim3A_190 : vector<512x1xf32> to vector<512x2048xf32>
    %eq3A_192 = arith.cmpf oeq, %convert_element_type3A, %eq3A_191 : vector<512x2048xf32>
    %jit3A_193 = arith.constant 0x7F800000 : f32
    %broadcast_in_dim3A_194 = vector.broadcast %jit3A_193 : f32 to vector<512x2048xf32>
    %select_n3A_195 = arith.select %eq3A_192, %broadcast_in_dim3A_194, %select_n3A_179 : vector<512x2048xi1>, vector<512x2048xf32>
    %reduce_min3A_196 = arith.constant dense<0x7F800000> : vector<512xf32>
    %reduce_min3A_197 = vector.multi_reduction <minimumf>, %select_n3A_195, %reduce_min3A_196 [1] : vector<512x2048xf32> to vector<512xf32>
    %broadcast_in_dim3A_198 = vector.shape_cast %reduce_min3A_197 : vector<512xf32> to vector<512x1xf32>
    %eq3A_199 = vector.broadcast %broadcast_in_dim3A_198 : vector<512x1xf32> to vector<512x2048xf32>
    %eq3A_200 = arith.cmpf oeq, %select_n3A_195, %eq3A_199 : vector<512x2048xf32>
    %jit3A_201 = arith.constant 2.048000e+03 : f32
    %broadcast_in_dim3A_202 = vector.broadcast %jit3A_201 : f32 to vector<512x2048xf32>
    %select_n3A_203 = arith.select %eq3A_200, %convert_element_type3A, %broadcast_in_dim3A_202 : vector<512x2048xi1>, vector<512x2048xf32>
    %reduce_min3A_204 = arith.constant dense<0x7F800000> : vector<512xf32>
    %reduce_min3A_205 = vector.multi_reduction <minimumf>, %select_n3A_203, %reduce_min3A_204 [1] : vector<512x2048xf32> to vector<512xf32>
    %broadcast_in_dim3A_206 = vector.shape_cast %reduce_min3A_205 : vector<512xf32> to vector<512x1xf32>
    %eq3A_207 = vector.broadcast %broadcast_in_dim3A_206 : vector<512x1xf32> to vector<512x2048xf32>
    %eq3A_208 = arith.cmpf oeq, %convert_element_type3A, %eq3A_207 : vector<512x2048xf32>
    %jit3A_209 = arith.constant 0x7F800000 : f32
    %broadcast_in_dim3A_210 = vector.broadcast %jit3A_209 : f32 to vector<512x2048xf32>
    %select_n3A_211 = arith.select %eq3A_208, %broadcast_in_dim3A_210, %select_n3A_195 : vector<512x2048xi1>, vector<512x2048xf32>
    %reduce_min3A_212 = arith.constant dense<0x7F800000> : vector<512xf32>
    %reduce_min3A_213 = vector.multi_reduction <minimumf>, %select_n3A_211, %reduce_min3A_212 [1] : vector<512x2048xf32> to vector<512xf32>
    %broadcast_in_dim3A_214 = vector.shape_cast %reduce_min3A_213 : vector<512xf32> to vector<512x1xf32>
    %eq3A_215 = vector.broadcast %broadcast_in_dim3A_214 : vector<512x1xf32> to vector<512x2048xf32>
    %eq3A_216 = arith.cmpf oeq, %select_n3A_211, %eq3A_215 : vector<512x2048xf32>
    %jit3A_217 = arith.constant 2.048000e+03 : f32
    %broadcast_in_dim3A_218 = vector.broadcast %jit3A_217 : f32 to vector<512x2048xf32>
    %select_n3A_219 = arith.select %eq3A_216, %convert_element_type3A, %broadcast_in_dim3A_218 : vector<512x2048xi1>, vector<512x2048xf32>
    %reduce_min3A_220 = arith.constant dense<0x7F800000> : vector<512xf32>
    %reduce_min3A_221 = vector.multi_reduction <minimumf>, %select_n3A_219, %reduce_min3A_220 [1] : vector<512x2048xf32> to vector<512xf32>
    %broadcast_in_dim3A_222 = vector.shape_cast %reduce_min3A_221 : vector<512xf32> to vector<512x1xf32>
    %eq3A_223 = vector.broadcast %broadcast_in_dim3A_222 : vector<512x1xf32> to vector<512x2048xf32>
    %eq3A_224 = arith.cmpf oeq, %convert_element_type3A, %eq3A_223 : vector<512x2048xf32>
    %jit3A_225 = arith.constant 0x7F800000 : f32
    %broadcast_in_dim3A_226 = vector.broadcast %jit3A_225 : f32 to vector<512x2048xf32>
    %select_n3A_227 = arith.select %eq3A_224, %broadcast_in_dim3A_226, %select_n3A_211 : vector<512x2048xi1>, vector<512x2048xf32>
    %reduce_min3A_228 = arith.constant dense<0x7F800000> : vector<512xf32>
    %reduce_min3A_229 = vector.multi_reduction <minimumf>, %select_n3A_227, %reduce_min3A_228 [1] : vector<512x2048xf32> to vector<512xf32>
    %broadcast_in_dim3A_230 = vector.shape_cast %reduce_min3A_229 : vector<512xf32> to vector<512x1xf32>
    %eq3A_231 = vector.broadcast %broadcast_in_dim3A_230 : vector<512x1xf32> to vector<512x2048xf32>
    %eq3A_232 = arith.cmpf oeq, %select_n3A_227, %eq3A_231 : vector<512x2048xf32>
    %jit3A_233 = arith.constant 2.048000e+03 : f32
    %broadcast_in_dim3A_234 = vector.broadcast %jit3A_233 : f32 to vector<512x2048xf32>
    %select_n3A_235 = arith.select %eq3A_232, %convert_element_type3A, %broadcast_in_dim3A_234 : vector<512x2048xi1>, vector<512x2048xf32>
    %reduce_min3A_236 = arith.constant dense<0x7F800000> : vector<512xf32>
    %reduce_min3A_237 = vector.multi_reduction <minimumf>, %select_n3A_235, %reduce_min3A_236 [1] : vector<512x2048xf32> to vector<512xf32>
    %broadcast_in_dim3A_238 = vector.shape_cast %reduce_min3A_237 : vector<512xf32> to vector<512x1xf32>
    %eq3A_239 = vector.broadcast %broadcast_in_dim3A_238 : vector<512x1xf32> to vector<512x2048xf32>
    %eq3A_240 = arith.cmpf oeq, %convert_element_type3A, %eq3A_239 : vector<512x2048xf32>
    %jit3A_241 = arith.constant 0x7F800000 : f32
    %broadcast_in_dim3A_242 = vector.broadcast %jit3A_241 : f32 to vector<512x2048xf32>
    %select_n3A_243 = arith.select %eq3A_240, %broadcast_in_dim3A_242, %select_n3A_227 : vector<512x2048xi1>, vector<512x2048xf32>
    %reduce_min3A_244 = arith.constant dense<0x7F800000> : vector<512xf32>
    %reduce_min3A_245 = vector.multi_reduction <minimumf>, %select_n3A_243, %reduce_min3A_244 [1] : vector<512x2048xf32> to vector<512xf32>
    %broadcast_in_dim3A_246 = vector.shape_cast %reduce_min3A_245 : vector<512xf32> to vector<512x1xf32>
    %eq3A_247 = vector.broadcast %broadcast_in_dim3A_246 : vector<512x1xf32> to vector<512x2048xf32>
    %eq3A_248 = arith.cmpf oeq, %select_n3A_243, %eq3A_247 : vector<512x2048xf32>
    %jit3A_249 = arith.constant 2.048000e+03 : f32
    %broadcast_in_dim3A_250 = vector.broadcast %jit3A_249 : f32 to vector<512x2048xf32>
    %select_n3A_251 = arith.select %eq3A_248, %convert_element_type3A, %broadcast_in_dim3A_250 : vector<512x2048xi1>, vector<512x2048xf32>
    %reduce_min3A_252 = arith.constant dense<0x7F800000> : vector<512xf32>
    %reduce_min3A_253 = vector.multi_reduction <minimumf>, %select_n3A_251, %reduce_min3A_252 [1] : vector<512x2048xf32> to vector<512xf32>
    %broadcast_in_dim3A_254 = vector.shape_cast %reduce_min3A_253 : vector<512xf32> to vector<512x1xf32>
    %eq3A_255 = vector.broadcast %broadcast_in_dim3A_254 : vector<512x1xf32> to vector<512x2048xf32>
    %eq3A_256 = arith.cmpf oeq, %convert_element_type3A, %eq3A_255 : vector<512x2048xf32>
    %jit3A_257 = arith.constant 0x7F800000 : f32
    %broadcast_in_dim3A_258 = vector.broadcast %jit3A_257 : f32 to vector<512x2048xf32>
    %select_n3A_259 = arith.select %eq3A_256, %broadcast_in_dim3A_258, %select_n3A_243 : vector<512x2048xi1>, vector<512x2048xf32>
    %reduce_min3A_260 = arith.constant dense<0x7F800000> : vector<512xf32>
    %reduce_min3A_261 = vector.multi_reduction <minimumf>, %select_n3A_259, %reduce_min3A_260 [1] : vector<512x2048xf32> to vector<512xf32>
    %broadcast_in_dim3A_262 = vector.shape_cast %reduce_min3A_261 : vector<512xf32> to vector<512x1xf32>
    %eq3A_263 = vector.broadcast %broadcast_in_dim3A_262 : vector<512x1xf32> to vector<512x2048xf32>
    %eq3A_264 = arith.cmpf oeq, %select_n3A_259, %eq3A_263 : vector<512x2048xf32>
    %jit3A_265 = arith.constant 2.048000e+03 : f32
    %broadcast_in_dim3A_266 = vector.broadcast %jit3A_265 : f32 to vector<512x2048xf32>
    %select_n3A_267 = arith.select %eq3A_264, %convert_element_type3A, %broadcast_in_dim3A_266 : vector<512x2048xi1>, vector<512x2048xf32>
    %reduce_min3A_268 = arith.constant dense<0x7F800000> : vector<512xf32>
    %reduce_min3A_269 = vector.multi_reduction <minimumf>, %select_n3A_267, %reduce_min3A_268 [1] : vector<512x2048xf32> to vector<512xf32>
    %broadcast_in_dim3A_270 = vector.shape_cast %reduce_min3A_269 : vector<512xf32> to vector<512x1xf32>
    %eq3A_271 = vector.broadcast %broadcast_in_dim3A_270 : vector<512x1xf32> to vector<512x2048xf32>
    %eq3A_272 = arith.cmpf oeq, %convert_element_type3A, %eq3A_271 : vector<512x2048xf32>
    %jit3A_273 = arith.constant 0x7F800000 : f32
    %broadcast_in_dim3A_274 = vector.broadcast %jit3A_273 : f32 to vector<512x2048xf32>
    %select_n3A_275 = arith.select %eq3A_272, %broadcast_in_dim3A_274, %select_n3A_259 : vector<512x2048xi1>, vector<512x2048xf32>
    %reduce_min3A_276 = arith.constant dense<0x7F800000> : vector<512xf32>
    %reduce_min3A_277 = vector.multi_reduction <minimumf>, %select_n3A_275, %reduce_min3A_276 [1] : vector<512x2048xf32> to vector<512xf32>
    %broadcast_in_dim3A_278 = vector.shape_cast %reduce_min3A_277 : vector<512xf32> to vector<512x1xf32>
    %eq3A_279 = vector.broadcast %broadcast_in_dim3A_278 : vector<512x1xf32> to vector<512x2048xf32>
    %eq3A_280 = arith.cmpf oeq, %select_n3A_275, %eq3A_279 : vector<512x2048xf32>
    %jit3A_281 = arith.constant 2.048000e+03 : f32
    %broadcast_in_dim3A_282 = vector.broadcast %jit3A_281 : f32 to vector<512x2048xf32>
    %select_n3A_283 = arith.select %eq3A_280, %convert_element_type3A, %broadcast_in_dim3A_282 : vector<512x2048xi1>, vector<512x2048xf32>
    %reduce_min3A_284 = arith.constant dense<0x7F800000> : vector<512xf32>
    %reduce_min3A_285 = vector.multi_reduction <minimumf>, %select_n3A_283, %reduce_min3A_284 [1] : vector<512x2048xf32> to vector<512xf32>
    %broadcast_in_dim3A_286 = vector.shape_cast %reduce_min3A_285 : vector<512xf32> to vector<512x1xf32>
    %eq3A_287 = vector.broadcast %broadcast_in_dim3A_286 : vector<512x1xf32> to vector<512x2048xf32>
    %eq3A_288 = arith.cmpf oeq, %convert_element_type3A, %eq3A_287 : vector<512x2048xf32>
    %jit3A_289 = arith.constant 0x7F800000 : f32
    %broadcast_in_dim3A_290 = vector.broadcast %jit3A_289 : f32 to vector<512x2048xf32>
    %select_n3A_291 = arith.select %eq3A_288, %broadcast_in_dim3A_290, %select_n3A_275 : vector<512x2048xi1>, vector<512x2048xf32>
    %reduce_min3A_292 = arith.constant dense<0x7F800000> : vector<512xf32>
    %reduce_min3A_293 = vector.multi_reduction <minimumf>, %select_n3A_291, %reduce_min3A_292 [1] : vector<512x2048xf32> to vector<512xf32>
    %broadcast_in_dim3A_294 = vector.shape_cast %reduce_min3A_293 : vector<512xf32> to vector<512x1xf32>
    %eq3A_295 = vector.broadcast %broadcast_in_dim3A_294 : vector<512x1xf32> to vector<512x2048xf32>
    %eq3A_296 = arith.cmpf oeq, %select_n3A_291, %eq3A_295 : vector<512x2048xf32>
    %jit3A_297 = arith.constant 2.048000e+03 : f32
    %broadcast_in_dim3A_298 = vector.broadcast %jit3A_297 : f32 to vector<512x2048xf32>
    %select_n3A_299 = arith.select %eq3A_296, %convert_element_type3A, %broadcast_in_dim3A_298 : vector<512x2048xi1>, vector<512x2048xf32>
    %reduce_min3A_300 = arith.constant dense<0x7F800000> : vector<512xf32>
    %reduce_min3A_301 = vector.multi_reduction <minimumf>, %select_n3A_299, %reduce_min3A_300 [1] : vector<512x2048xf32> to vector<512xf32>
    %broadcast_in_dim3A_302 = vector.shape_cast %reduce_min3A_301 : vector<512xf32> to vector<512x1xf32>
    %eq3A_303 = vector.broadcast %broadcast_in_dim3A_302 : vector<512x1xf32> to vector<512x2048xf32>
    %eq3A_304 = arith.cmpf oeq, %convert_element_type3A, %eq3A_303 : vector<512x2048xf32>
    %jit3A_305 = arith.constant 0x7F800000 : f32
    %broadcast_in_dim3A_306 = vector.broadcast %jit3A_305 : f32 to vector<512x2048xf32>
    %select_n3A_307 = arith.select %eq3A_304, %broadcast_in_dim3A_306, %select_n3A_291 : vector<512x2048xi1>, vector<512x2048xf32>
    %reduce_min3A_308 = arith.constant dense<0x7F800000> : vector<512xf32>
    %reduce_min3A_309 = vector.multi_reduction <minimumf>, %select_n3A_307, %reduce_min3A_308 [1] : vector<512x2048xf32> to vector<512xf32>
    %broadcast_in_dim3A_310 = vector.shape_cast %reduce_min3A_309 : vector<512xf32> to vector<512x1xf32>
    %eq3A_311 = vector.broadcast %broadcast_in_dim3A_310 : vector<512x1xf32> to vector<512x2048xf32>
    %eq3A_312 = arith.cmpf oeq, %select_n3A_307, %eq3A_311 : vector<512x2048xf32>
    %jit3A_313 = arith.constant 2.048000e+03 : f32
    %broadcast_in_dim3A_314 = vector.broadcast %jit3A_313 : f32 to vector<512x2048xf32>
    %select_n3A_315 = arith.select %eq3A_312, %convert_element_type3A, %broadcast_in_dim3A_314 : vector<512x2048xi1>, vector<512x2048xf32>
    %reduce_min3A_316 = arith.constant dense<0x7F800000> : vector<512xf32>
    %reduce_min3A_317 = vector.multi_reduction <minimumf>, %select_n3A_315, %reduce_min3A_316 [1] : vector<512x2048xf32> to vector<512xf32>
    %broadcast_in_dim3A_318 = vector.shape_cast %reduce_min3A_317 : vector<512xf32> to vector<512x1xf32>
    %eq3A_319 = vector.broadcast %broadcast_in_dim3A_318 : vector<512x1xf32> to vector<512x2048xf32>
    %eq3A_320 = arith.cmpf oeq, %convert_element_type3A, %eq3A_319 : vector<512x2048xf32>
    %jit3A_321 = arith.constant 0x7F800000 : f32
    %broadcast_in_dim3A_322 = vector.broadcast %jit3A_321 : f32 to vector<512x2048xf32>
    %select_n3A_323 = arith.select %eq3A_320, %broadcast_in_dim3A_322, %select_n3A_307 : vector<512x2048xi1>, vector<512x2048xf32>
    %reduce_min3A_324 = arith.constant dense<0x7F800000> : vector<512xf32>
    %reduce_min3A_325 = vector.multi_reduction <minimumf>, %select_n3A_323, %reduce_min3A_324 [1] : vector<512x2048xf32> to vector<512xf32>
    %broadcast_in_dim3A_326 = vector.shape_cast %reduce_min3A_325 : vector<512xf32> to vector<512x1xf32>
    %eq3A_327 = vector.broadcast %broadcast_in_dim3A_326 : vector<512x1xf32> to vector<512x2048xf32>
    %eq3A_328 = arith.cmpf oeq, %select_n3A_323, %eq3A_327 : vector<512x2048xf32>
    %jit3A_329 = arith.constant 2.048000e+03 : f32
    %broadcast_in_dim3A_330 = vector.broadcast %jit3A_329 : f32 to vector<512x2048xf32>
    %select_n3A_331 = arith.select %eq3A_328, %convert_element_type3A, %broadcast_in_dim3A_330 : vector<512x2048xi1>, vector<512x2048xf32>
    %reduce_min3A_332 = arith.constant dense<0x7F800000> : vector<512xf32>
    %reduce_min3A_333 = vector.multi_reduction <minimumf>, %select_n3A_331, %reduce_min3A_332 [1] : vector<512x2048xf32> to vector<512xf32>
    %broadcast_in_dim3A_334 = vector.shape_cast %reduce_min3A_333 : vector<512xf32> to vector<512x1xf32>
    %mul3A_335 = arith.constant 2048 : i32
    %mul3A_336 = arith.muli %arg0, %mul3A_335 : i32
    %concatenate3A = tpu.concatenate %broadcast_in_dim3A_30, %broadcast_in_dim3A_46, %broadcast_in_dim3A_62, %broadcast_in_dim3A_78, %broadcast_in_dim3A_94, %broadcast_in_dim3A_110, %broadcast_in_dim3A_126, %broadcast_in_dim3A_142, %broadcast_in_dim3A_158, %broadcast_in_dim3A_174, %broadcast_in_dim3A_190, %broadcast_in_dim3A_206, %broadcast_in_dim3A_222, %broadcast_in_dim3A_238, %broadcast_in_dim3A_254, %broadcast_in_dim3A_270, %broadcast_in_dim3A_286, %broadcast_in_dim3A_302, %broadcast_in_dim3A_318, %broadcast_in_dim3A_334 in 1 : vector<512x1xf32>, vector<512x1xf32>, vector<512x1xf32>, vector<512x1xf32>, vector<512x1xf32>, vector<512x1xf32>, vector<512x1xf32>, vector<512x1xf32>, vector<512x1xf32>, vector<512x1xf32>, vector<512x1xf32>, vector<512x1xf32>, vector<512x1xf32>, vector<512x1xf32>, vector<512x1xf32>, vector<512x1xf32>, vector<512x1xf32>, vector<512x1xf32>, vector<512x1xf32>, vector<512x1xf32> -> vector<512x20xf32>
    %convert_element_type3A_337 = arith.fptosi %concatenate3A : vector<512x20xf32> to vector<512x20xi32>
    %add3A_338 = vector.broadcast %mul3A_336 : i32 to vector<512x20xi32>
    %add3A_339 = arith.addi %convert_element_type3A_337, %add3A_338 : vector<512x20xi32>
    %swap3A = arith.constant 0 : index
    %swap3A_340 = arith.constant 0 : index
    %swap3A_341 = arith.constant 0 : index
    %swap3A_342 = vector.load %arg6[%swap3A, %swap3A_340, %swap3A_341] : memref<1x512x20xi32, #tpu.memory_space<vmem>>, vector<1x512x20xi32>
    %swap3A_343 = vector.shape_cast %swap3A_342 : vector<1x512x20xi32> to vector<512x20xi32>
    %swap3A_344 = vector.shape_cast %add3A_339 : vector<512x20xi32> to vector<1x512x20xi32>
    tpu.vector_store %arg6[%swap3A, %swap3A_340, %swap3A_341], %swap3A_344 {strides = array<i32>} : memref<1x512x20xi32, #tpu.memory_space<vmem>>, vector<1x512x20xi32>,
    return
  }
  func.func @transform_0(%arg0: i32, %arg1: i32) -> (i32, i32, i32) {
    %c0_i32 = arith.constant 0 : i32
    %c0_i32_0 = arith.constant 0 : i32
    return %arg0, %arg1, %c0_i32 : i32, i32, i32
  }
  func.func @transform_1(%arg0: i32, %arg1: i32) -> (i32, i32, i32) {
    %c0_i32 = arith.constant 0 : i32
    %c0_i32_0 = arith.constant 0 : i32
    %c0_i32_1 = arith.constant 0 : i32
    return %arg0, %c0_i32, %c0_i32_0 : i32, i32, i32
  }
  func.func @transform_2(%arg0: i32, %arg1: i32) -> (i32, i32, i32) {
    %c0_i32 = arith.constant 0 : i32
    %c0_i32_0 = arith.constant 0 : i32
    return %arg0, %arg1, %c0_i32 : i32, i32, i32
  }
  func.func @transform_3(%arg0: i32, %arg1: i32) -> (i32, i32, i32) {
    %c0_i32 = arith.constant 0 : i32
    %c0_i32_0 = arith.constant 0 : i32
    %c0_i32_1 = arith.constant 0 : i32
    return %arg0, %c0_i32, %c0_i32_0 : i32, i32, i32
  }
  func.func @transform_4(%arg0: i32, %arg1: i32) -> (i32, i32, i32) {
    %c0_i32 = arith.constant 0 : i32
    %c0_i32_0 = arith.constant 0 : i32
    return %arg0, %arg1, %c0_i32 : i32, i32, i32
  }
}

</mosaic_0001>

<sc_bundles>
// kernel: kernel.4.cloned.1.call-start
scs
__scs_entry_jumppad:
0x0: {  	(pc) =	sbr.rel $0x88, $3  }
0x1: {  	(tag) =	ssettag $0x0;
	lr =	simm.s32 $0x1  }
0x2: {  	[smem:$0x3FA0] =	sst lr;
	_ =	strace $0xD0000000  }
0x3: {  	_ = 	snop  }
0x4: {  	_ = 	snop  }
0x5: {  	_ = 	snop  }
0x6: {  	_ = 	snop  }
0x7: {  	_ = 	snop  }
__scs_overlays_trampoline_lowered:
0x8: {  	[smem:$0x3FAF] =	sst s0  }
0x9: {  	[smem:$0x3FB0] =	sst s1  }
0xa: {  	[smem:$0x3FB1] =	sst s2  }
0xb: {  	[smem:$0x3FB2] =	sst s3  }
0xc: {  	[smem:$0x3FB3] =	sst s4  }
0xd: {  	[smem:$0x3FB4] =	sst s5  }
0xe: {  	[smem:$0x3FB5] =	sst s6  }
0xf: {  	[smem:$0x3FB6] =	sst s7  }
0x10: {  	[smem:$0x3FB7] =	sst s8  }
0x11: {  	[smem:$0x3FB8] =	sst s9;
	s0 =	simm.s32 @!p0 $0x0  }
0x12: {  	s1 =	sld [smem:$0x3F9E];
	s0 =	simm.s32 @p0 $0x1  }
0x13: {  	[smem:$0x3FB9] =	sst s0;
	s0 =	simm.s32 @!p1 $0x0  }
0x14: {  	s2 =	sld [smem:$0x3F9D];
	s0 =	simm.s32 @p1 $0x1  }
0x15: {  	[smem:$0x3FBA] =	sst s0;
	s0 =	simm.s32 @!p2 $0x0  }
0x16: {  	s3 =	sld [smem:$0x3FDB];
	s0 =	simm.s32 @p2 $0x1  }
0x17: {  	s4 =	simm.s32 $0x1BF5;
	[smem:$0x3FBC] =	sst s0  }
0x18: {  	s0 =	sld [smem:$0x3F9F];
	_ =	swait.ge [sflag:s4], $0x0  }
0x19: {  	s7 =	sld [smem:$0x3FA0]  }
0x1a: {  	s8 =	sadd.s32 $0xFFFFE003, lr  }
0x1b: {  	s9 =	sadd.s32 $0xFFFFFEF7, lr;
	s5 =	simm.s32 $0xFFFFFFFF;
	p2 =	slt.u32 s8, $0xFFFFF086  }
0x1c: {  	p1 =	slt.u32 s9, $0xF7A;
	s5 =	simm.s32 @!p2 $0x0  }
0x1d: {  	s5 =	simm.s32 @p1 $0x1;
	p0 =	seq.s32 s7, s2  }
0x1e: {  	s7 =	smul.u32 @!p0 $0xF7A, s2;
	p2 =	seq.s32 @!p0 s5, $0x0  }
0x1f: {  	s9 =	smul.u32 $0xF7A, s1;
	s8 =	simm.s32 @!p0 $0x1BF5;
	p2 =	por !p2, p0  }
0x20: {  	[sflag:s8] =	ssyncset.s32 @!p0 $0xFFFFF086;
	s6 =	sadd.s32 @!p0 s3, s7;
	s7 =	simm.s32 @!p0 $0x108  }
0x21: {  	s3 =	sadd.s32 s3, s9;
	s6 =	sadd.s32 @!p0 $0x88, s6;
	s7 =	simm.s32 @p2 $0x1082  }
0x22: {  	[simem:s7], [sflag:s8] =	dma.local @!p0 [hbm:s6], $0xF7A  }
0x23: {  	s9 =	sor.u32 $0xD0000000, s2;
	s6 =	simm.s32 $0x108;
	_ =	swait.ge @!p0 [sflag:s8], $0x0  }
0x24: {  	s3 =	sadd.s32 $0x88, s3;
	s6 =	simm.s32 @!p1 $0x1082;
	[sflag:s4] =	ssyncset.s32 $0xFFFFF086  }
0x25: {  	[simem:s6], [sflag:s4] =	dma.local [hbm:s3], $0xF7A  }
0x26: {  	[smem:$0x3FA0] =	sst s1;
	(tag) =	ssettag s2;
	_ =	strace s9  }
0x27: {  	s1 =	sld [smem:$0x3FB0]  }
0x28: {  	s2 =	sld [smem:$0x3FB1]  }
0x29: {  	s4 =	sld [smem:$0x3FB3]  }
0x2a: {  	p0 =	seq.s32 s5, $0x0;
	s5 =	sld [smem:$0x3FB4]  }
0x2b: {  	s6 =	sld [smem:$0x3FB5]  }
0x2c: {  	s7 =	sld [smem:$0x3FB6]  }
0x2d: {  	s3 =	simm.s32 $0x108;
	s8 =	sld [smem:$0x3FB7]  }
0x2e: {  	s3 =	simm.s32 @!p0 $0x1082;
	s9 =	sld [smem:$0x3FB8]  }
0x2f: {  	lr =	sadd.s32 s0, s3;
	s0 =	sld [smem:$0x3FAF]  }
0x30: {  	s3 =	sld [smem:$0x3FB2]  }
0x31: {  	[smem:$0x3FBB] =	sst s10  }
0x32: {  	s10 =	sld [smem:$0x3FB9];
	_ =	sdelay $0x3  }
0x33: {  	p0 =	seq.s32 s10, $0x1;
	s10 =	sld [smem:$0x3FBB];
	_ =	sdelay $0x3  }
0x34: {  	[smem:$0x3FBB] =	sst s10  }
0x35: {  	s10 =	sld [smem:$0x3FBA];
	_ =	sdelay $0x3  }
0x36: {  	p1 =	seq.s32 s10, $0x1;
	s10 =	sld [smem:$0x3FBB];
	_ =	sdelay $0x3  }
0x37: {  	[smem:$0x3FBB] =	sst s10  }
0x38: {  	s10 =	sld [smem:$0x3FBC]  }
0x39: {  	_ = 	snop;
	(pc) =	sbr.ind lr, $3  }
0x3a: {  	_ = 	snop  }
0x3b: {  	_ = 	snop  }
0x3c: {  	p2 =	seq.s32 s10, $0x1;
	s10 =	sld [smem:$0x3FBB]  }
0x3d: {  	_ =	shalt  }
0x3e: {  	_ =	shalt  }
0x3f: {  	_ =	shalt  }
0x40: {  	_ =	shalt  }
0x41: {  	_ =	shalt  }
0x42: {  	_ =	shalt  }
0x43: {  	_ =	shalt  }
0x44: {  	_ =	shalt  }
0x45: {  	_ =	shalt  }
0x46: {  	_ =	shalt  }
0x47: {  	_ =	shalt  }
0x48: {  	_ =	shalt  }
0x49: {  	_ =	shalt  }
0x4a: {  	_ =	shalt  }
0x4b: {  	_ =	shalt  }
0x4c: {  	_ =	shalt  }
0x4d: {  	_ =	shalt  }
0x4e: {  	_ =	shalt  }
0x4f: {  	_ =	shalt  }
0x50: {  	_ =	shalt  }
0x51: {  	_ =	shalt  }
0x52: {  	_ =	shalt  }
0x53: {  	_ =	shalt  }
0x54: {  	_ =	shalt  }
0x55: {  	_ =	shalt  }
0x56: {  	_ =	shalt  }
0x57: {  	_ =	shalt  }
0x58: {  	_ =	shalt  }
0x59: {  	_ =	shalt  }
0x5a: {  	_ =	shalt  }
0x5b: {  	_ =	shalt  }
0x5c: {  	_ =	shalt  }
0x5d: {  	_ =	shalt  }
0x5e: {  	_ =	shalt  }
0x5f: {  	_ =	shalt  }
0x60: {  	_ =	shalt  }
0x61: {  	_ =	shalt  }
0x62: {  	_ =	shalt  }
0x63: {  	_ =	shalt  }
0x64: {  	_ =	shalt  }
0x65: {  	_ =	shalt  }
0x66: {  	_ =	shalt  }
0x67: {  	_ =	shalt  }
0x68: {  	_ =	shalt  }
0x69: {  	_ =	shalt  }
0x6a: {  	_ =	shalt  }
0x6b: {  	_ =	shalt  }
0x6c: {  	_ =	shalt  }
0x6d: {  	_ =	shalt  }
0x6e: {  	_ =	shalt  }
0x6f: {  	_ =	shalt  }
0x70: {  	_ =	shalt  }
0x71: {  	_ =	shalt  }
0x72: {  	_ =	shalt  }
0x73: {  	_ =	shalt  }
0x74: {  	_ =	shalt  }
0x75: {  	_ =	shalt  }
0x76: {  	_ =	shalt  }
0x77: {  	_ =	shalt  }
0x78: {  	_ =	shalt  }
0x79: {  	_ =	shalt  }
0x7a: {  	_ =	shalt  }
0x7b: {  	_ =	shalt  }
0x7c: {  	_ =	shalt  }
0x7d: {  	_ =	shalt  }
0x7e: {  	_ =	shalt  }
0x7f: {  	_ =	shalt  }
0x80: {  	_ =	shalt  }
0x81: {  	_ =	shalt  }
0x82: {  	_ =	shalt  }
0x83: {  	_ =	shalt  }
0x84: {  	_ =	shalt  }
0x85: {  	_ =	shalt  }
0x86: {  	_ =	shalt  }
0x87: {  	_ =	shalt  }
.Lfunc_end0:
.L_simem_size_0:
called_computation.1_lowered:
.L_overlay_start_0:
0x88: {  	s2 =	sld [smem:$0x3FD9]  }
0x89: {  	s3 =	sld [smem:$0x3FFE];
	_ =	sdelay $0x1  }
0x8a: {  	s1 =	srdreg.scid  }
0x8b: {  	s0 =	sand.u32 $0x1, s1  }
0x8c: {  	s17 =	sshll.u32 s0, $0xA;
	s2 =	sadd.s32 s3, s2  }
0x8d: {  	s2 =	sadd.s32 s2, s17  }
0x8e: {  	[smem:$0x3FC7] =	sst s2  }
0x8f: {  	_ = 	snop  }
0x90: {  	s2 =	sld [smem:$0x3FC9]  }
0x91: {  	s18 =	sld [smem:$0x3FD0];
	(tm) =	ssettm $0x1  }
0x92: {  	s4 =	sld [smem:$0x3FFB];
	_ =	sdelay $0x3  }
0x93: {  	_ =	strace s4  }
0x94: {  	s4 =	sld [smem:$0x3FFC];
	_ =	sdelay $0x3  }
0x95: {  	_ =	strace s4  }
0x96: {  	s4 =	sld [smem:$0x3FFD];
	_ =	sdelay $0x3  }
0x97: {  	_ =	strace s4  }
0x98: {  	_ =	strace $0x8FFFFFFF  }
0x99: {  	s19 =	sld [smem:$0x3FDB];
	_ =	sdelay $0x1  }
0x9a: {  	s5 =	simm.s32 $_scs_section_size  }
0x9b: {  	s6 =	simm.s32 $_size__tile_overlayer_lowered;
	s7 =	simm.s32 $_tile_overlayer_lowered  }
0x9c: {  	s22 =	simm.s32 $0x1BFF;
	s21 =	sshll.u32 s7, $0x1;
	s4 =	sadd.s32 s5, s19  }
0x9d: {  	s8 =	simm.s32 $0x0;
	s20 =	sshll.u32 s6, $0x1;
	s6 =	sadd.s32 s21, s4  }
0x9e: {  	[timem:s8], [sflag:s22] =	dma.local [hbm:s6], s20  }
0x9f: {  	_ =	swait.ge [sflag:s22], s20  }
0xa0: {  	s5 =	ssub.s32 $0x0, s20;
	[sflag:s22] =	ssyncset.done $0x0  }
0xa1: {  	[sflag:s22] =	ssyncadd.s32 s5;
	_ =	sdelay $0x1  }
0xa2: {  	s23 =	simm.s32 $0x1B8B  }
0xa3: {  	_ =	swait.ge [sflag:s23], $0x1  }
0xa4: {  	[sflag:s23] =	ssyncset.done $0x0  }
0xa5: {  	s25 =	simm.s32 $0x1B8E;
	s24 =	sld [smem:$0x3FFE];
	[sflag:s23] =	ssyncadd.s32 $0xFFFFFFFF  }
0xa6: {  	s26 =	simm.s32 $execute0_lowered;
	[smem:$0x3FD2] =	sst s25  }
0xa7: {  	s6 =	sshll.u32 s26, $0x1;
	_ =	strace $0x80000046;
	[dreg:$0x1] =	wrdreg $0xFFFFFFFF  }
0xa8: {  	s28 =	simm.s32 $_size_execute0_lowered;
	s4 =	sadd.s32 s4, s6;
	[dreg:$0x0] =	wrdreg $0x0  }
0xa9: {  	s6 =	sshll.u32 s28, $0x1;
	[dreg:$0x2] =	wrdreg s4  }
0xaa: {  	[dreg:$0x3] =	wrdreg s6  }
0xab: {  	[dreg:$0x4] =	wrdreg $0xC0  }
0xac: {  	_ =	task [dreg:s8], $0x5FFFF  }
0xad: {  	[dreg:$0x1] =	wrdreg $0xFFFFFFFF  }
0xae: {  	[dreg:$0x0] =	wrdreg $0x60  }
0xaf: {  	[dreg:$0x2] =	wrdreg s2  }
0xb0: {  	[dreg:$0x3] =	wrdreg s24  }
0xb1: {  	[dreg:$0x4] =	wrdreg s18  }
0xb2: {  	[dreg:$0x5] =	wrdreg $0x9  }
0xb3: {  	_ =	task.clear_ibuf [dreg:s8], $0x6FFFF;
	_ =	strace $0x90000046  }
0xb4: {  	s29 =	simm.s32 $0x9;
	_ =	strace $0x80000048  }
0xb5: {  	_ =	swait.ge [sflag:s29], $0x1  }
0xb6: {  	[sflag:s29] =	ssyncadd.s32 $0xFFFFFFFF  }
0xb7: {  	_ =	strace $0x90000048  }
0xb8: {  	_ =	sfence  }
0xb9: {  	s30 =	sld [smem:$0x0];
	_ =	sdelay $0x2  }
0xba: {  	s31 =	sshll.u32 s1, $0xD;
	s1 =	sshrl.u32 s1, $0x2  }
0xbb: {  	s3 =	sand.u32 $0x4000, s31;
	s1 =	sadd.s32 s1, s30  }
0xbc: {  	s0 =	sor.u32 s3, s0;
	s1 =	sshll.u32 s1, $0x11  }
0xbd: {  	s0 =	sor.u32 s1, s0  }
0xbe: {  	s0 =	sadd.s32 $0x8F2B, s0  }
0xbf: {  	[sflag:s0] =	ssyncadd.remote.s32 $0x1  }
0xc0: {  	_ =	sfence.sel $0xFFFF  }
0xc1: {  	[dreg:$0x0] =	wrdreg $0xFFFFFFFF;
	(pc) =	sbr.abs _section_cstart, $3  }
0xc2: {  	[dreg:$0x1] =	wrdreg $0xFFFFFFFF  }
0xc3: {  	_ =	task.clear_ibuf [dreg:s8], $0x2FFFF;
	_ =	strace $0x9FFFFFFF  }
0xc4: {  	(tm) =	ssettm $0x7FFFFFFF  }
0xc5: {  	_ =	shalt  }
tec
execute0_lowered:
.L_overlay_start_1:
0x0: {  	(tag) =	ssettag $0x1  }
0x1: {  	s1 =	rddreg [dreg:$0x0]  }
0x2: {  	s0 =	srdreg.scid;
	s4 =	rddreg [dreg:$0x1]  }
0x3: {  	s9 =	stileid.u32;
	s5 =	rddreg [dreg:$0x2];
	s3 =	simm.s32 $0x0  }
0x4: {  	s21 =	simm.s32 $0x7400;
	s22 =	simm.s32 $0x7C00;
	s23 =	simm.s32 $0x8400  }
0x5: {  	s24 =	simm.s32 $0x8C00;
	s28 =	simm.s32 $0x9C00;
	s29 =	simm.s32 $0xA400  }
0x6: {  	s30 =	simm.s32 $0xAC00;
	s31 =	simm.s32 $0xB400;
	s11 =	simm.s32 $0xEC00  }
0x7: {  	s12 =	simm.s32 $0xF400;
	s13 =	simm.s32 $0xFC00;
	s14 =	simm.s32 $0x10400  }
0x8: {  	s15 =	simm.s32 $0x10C00;
	s16 =	simm.s32 $0x2;
	s17 =	simm.s32 $0x3  }
0x9: {  	s20 =	simm.s32 $0x0;
	s0 =	sand.u32 $0x1, s0;
	s6 =	smul.u32 $0x50000, s9  }
0xa: {  	s2 =	sshll.u32 s9, $0x1;
	[smem:$0x7FF] =	sst s3;
	s9 =	smul.u32 $0x280000, s9  }
0xb: {  	s2 =	sor.u32 s0, s2;
	s7 =	smul.u32 $0x28000, s0;
	s8 =	ssub.s32 $0x2, s0  }
0xc: {  	_ =	strace $0x80000047;
	s0 =	smul.u32 $0x140000, s0;
	s10 =	sshrl.u32 s8, $0x1  }
0xd: {  	s2 =	smul.u32 $0x1400, s2;
	s6 =	sadd.s32 s6, s5;
	s25 =	ssub.s32 s8, s10  }
0xe: {  	s26 =	sadd.s32 s7, s6;
	s0 =	sadd.s32 s0, s9;
	s9 =	simm.s32 $0x1400  }
0xf: {  	s8 =	simm.s32 $0xDC00;
	s10 =	simm.s32 $0xE400;
	s2 =	sshrl.u32 s2, $0x3  }
.Ltmp0:
0x10: {  	s6 =	sadd.s32 $0x1000, s26;
	s0 =	sshrl.u32 s0, $0x3;
	(pc) =	sbr.rel .LBB2_1-.Ltmp0, $4  }
0x11: {  	s26 =	simm.s32 $0x9400;
	s2 =	sadd.s32 s2, s4;
	s4 =	smax.u32 s25, $0x1  }
0x12: {  	v2 =	vlaneseq.u32;
	s7 =	sadd.s32 s0, s5;
	s25 =	simm.s32 $0x1;
	s0 =	simm.s32 $0xC400  }
0x13: {  	vm0 =	vmmov $0xffff;
	v1 =	vshrl.u32 v2, $0x3;
	s5 =	simm.s32 $0xD400;
	s2 =	sadd.s32 $0x600, s2;
	[dreg:$0x5] =	wrdreg s4  }
0x14: {  	v0 =	vand.u32 $0x7, v2;
	v2 =	vor.u32 $0x8, v2;
	v1 =	vmul.u32 $0x8, v1;
	s4 =	simm.s32 $0xCC00;
	[dreg:$0x4] =	wrdreg s2;
	s2 =	simm.s32 $0xBC00  }
.LBB2_5:
0x15: {  	s19 =	simm.s32 $0x4  }
0x16: {  	_ =	swait.ge [sflag:s19], $0x8000  }
0x17: {  	s20 =	rddreg [dreg:$0x6]  }
0x18: {  	s18 =	rddreg [dreg:$0x5];
	s20 =	sadd.s32 $0x1, s20  }
0x19: {  	p0 =	sne.s32 s20, s18  }
.Ltmp1:
0x1a: {  	_ = 	snop;
	(pc) =	sbr.rel @!p0 .LBB2_6-.Ltmp1, $3  }
0x1b: {  	_ =	sdelay $0x1  }
0x1c: {  	[sflag:s19] =	ssyncset.done $0x0  }
0x1d: {  	[sflag:s19] =	ssyncadd.s32 $0xFFFF8000  }
.LBB2_1:
0x1e: {  	[dreg:$0x6] =	wrdreg s20  }
0x1f: {  	s18 =	rddreg [dreg:$0x4];
	s19 =	simm.s32 $0x5  }
0x20: {  	[tilespmem:s3], [sflag:$0x5] =	stream.linear.gather [hbm4b:s18+s3], $0x1400, $0x38;
	[tilespmem:$0x11400] =	vst v63  }
0x21: {  	_ =	swait.ge [sflag:s19], $0x1400  }
0x22: {  	[sflag:s19] =	ssyncset.done $0x0  }
0x23: {  	[sflag:s19] =	ssyncadd.s32 $0xFFFFEC00  }
0x24: {  	v3 =	vld [tilespmem:$0x0];
	_ =	sdelay $0x4  }
0x25: {  	v4 =	vshll.u32 v3, $0x1  }
0x26: {  	v3 =	vand.u32 $0x7, v3;
	v4 =	vand.u32 $0xFFFFFFF0, v4  }
0x27: {  	v3 =	vor.u32 v3, v4  }
0x28: {  	v4 =	vperm.xlane v3, v0;
	_ =	sdelay $0x1  }
0x29: {  	v3 =	vperm.xlane v3, v2;
	v4 =	vadd.s32 v1, v4;
	_ =	sdelay $0x1  }
0x2a: {  	v3 =	vadd.s32 v1, v3;
	_ =	sdelay $0x2  }
0x2b: {  	[tilespmem:s9], [sflag:$0x1] =	stream.indirect_vreg.gather [hbm4b:s1+s3], $0x80, v4, vm0, $0xb8;
	[tilespmem:$0x11400] =	vst v63  }
0x2c: {  	s20 =	simm.s32 $0x1C00  }
0x2d: {  	[tilespmem:s20], [sflag:$0x1] =	stream.indirect_vreg.gather [hbm4b:s1+s3], $0x80, v3, vm0, $0xb8;
	[tilespmem:$0x11400] =	vst v63  }
0x2e: {  	v3 =	vld [tilespmem:$0x10];
	_ =	sdelay $0x4  }
0x2f: {  	v57 =	vshll.u32 v3, $0x1  }
0x30: {  	v3 =	vand.u32 $0x7, v3;
	v4 =	vand.u32 $0xFFFFFFF0, v57  }
0x31: {  	v3 =	vor.u32 v3, v4  }
0x32: {  	v4 =	vperm.xlane v3, v0;
	_ =	sdelay $0x1  }
0x33: {  	v3 =	vperm.xlane v3, v2;
	v4 =	vadd.s32 v1, v4;
	_ =	sdelay $0x1  }
0x34: {  	v3 =	vadd.s32 v1, v3;
	_ =	sdelay $0x1  }
0x35: {  	s19 =	simm.s32 $0x2400  }
0x36: {  	[tilespmem:s19], [sflag:$0x1] =	stream.indirect_vreg.gather [hbm4b:s1+s3], $0x80, v4, vm0, $0xb8;
	[tilespmem:$0x11400] =	vst v63  }
0x37: {  	s20 =	simm.s32 $0x2C00  }
0x38: {  	[tilespmem:s20], [sflag:$0x1] =	stream.indirect_vreg.gather [hbm4b:s1+s3], $0x80, v3, vm0, $0xb8;
	[tilespmem:$0x11400] =	vst v63  }
0x39: {  	v3 =	vld [tilespmem:$0x20];
	_ =	sdelay $0x4  }
0x3a: {  	v58 =	vshll.u32 v3, $0x1  }
0x3b: {  	v3 =	vand.u32 $0x7, v3;
	v4 =	vand.u32 $0xFFFFFFF0, v58  }
0x3c: {  	v3 =	vor.u32 v3, v4  }
0x3d: {  	v4 =	vperm.xlane v3, v0;
	_ =	sdelay $0x1  }
0x3e: {  	v3 =	vperm.xlane v3, v2;
	v4 =	vadd.s32 v1, v4;
	_ =	sdelay $0x1  }
0x3f: {  	v3 =	vadd.s32 v1, v3;
	_ =	sdelay $0x1  }
0x40: {  	s19 =	simm.s32 $0x3400  }
0x41: {  	[tilespmem:s19], [sflag:$0x1] =	stream.indirect_vreg.gather [hbm4b:s1+s3], $0x80, v4, vm0, $0xb8;
	[tilespmem:$0x11400] =	vst v63  }
0x42: {  	s20 =	simm.s32 $0x3C00  }
0x43: {  	[tilespmem:s20], [sflag:$0x1] =	stream.indirect_vreg.gather [hbm4b:s1+s3], $0x80, v3, vm0, $0xb8;
	[tilespmem:$0x11400] =	vst v63  }
0x44: {  	v3 =	vld [tilespmem:$0x30];
	_ =	sdelay $0x4  }
0x45: {  	v59 =	vshll.u32 v3, $0x1  }
0x46: {  	v3 =	vand.u32 $0x7, v3;
	v4 =	vand.u32 $0xFFFFFFF0, v59  }
0x47: {  	v3 =	vor.u32 v3, v4  }
0x48: {  	v4 =	vperm.xlane v3, v0;
	_ =	sdelay $0x1  }
0x49: {  	v3 =	vperm.xlane v3, v2;
	v4 =	vadd.s32 v1, v4;
	_ =	sdelay $0x1  }
0x4a: {  	v3 =	vadd.s32 v1, v3;
	_ =	sdelay $0x1  }
0x4b: {  	s19 =	simm.s32 $0x4400  }
0x4c: {  	[tilespmem:s19], [sflag:$0x1] =	stream.indirect_vreg.gather [hbm4b:s1+s3], $0x80, v4, vm0, $0xb8;
	[tilespmem:$0x11400] =	vst v63  }
0x4d: {  	s20 =	simm.s32 $0x4C00  }
0x4e: {  	[tilespmem:s20], [sflag:$0x1] =	stream.indirect_vreg.gather [hbm4b:s1+s3], $0x80, v3, vm0, $0xb8;
	[tilespmem:$0x11400] =	vst v63  }
0x4f: {  	v3 =	vld [tilespmem:$0x40];
	_ =	sdelay $0x4  }
0x50: {  	v60 =	vshll.u32 v3, $0x1  }
0x51: {  	v3 =	vand.u32 $0x7, v3;
	v4 =	vand.u32 $0xFFFFFFF0, v60  }
0x52: {  	v3 =	vor.u32 v3, v4  }
0x53: {  	v4 =	vperm.xlane v3, v0;
	_ =	sdelay $0x1  }
0x54: {  	v3 =	vperm.xlane v3, v2;
	v4 =	vadd.s32 v1, v4;
	_ =	sdelay $0x1  }
0x55: {  	v3 =	vadd.s32 v1, v3;
	_ =	sdelay $0x1  }
0x56: {  	s19 =	simm.s32 $0x5400  }
0x57: {  	[tilespmem:s19], [sflag:$0x1] =	stream.indirect_vreg.gather [hbm4b:s1+s3], $0x80, v4, vm0, $0xb8;
	[tilespmem:$0x11400] =	vst v63  }
0x58: {  	s20 =	simm.s32 $0x5C00  }
0x59: {  	[tilespmem:s20], [sflag:$0x1] =	stream.indirect_vreg.gather [hbm4b:s1+s3], $0x80, v3, vm0, $0xb8;
	[tilespmem:$0x11400] =	vst v63  }
0x5a: {  	v3 =	vld [tilespmem:$0x50];
	_ =	sdelay $0x4  }
0x5b: {  	v61 =	vshll.u32 v3, $0x1  }
0x5c: {  	v3 =	vand.u32 $0x7, v3;
	v4 =	vand.u32 $0xFFFFFFF0, v61  }
0x5d: {  	v3 =	vor.u32 v3, v4  }
0x5e: {  	v4 =	vperm.xlane v3, v0;
	_ =	sdelay $0x1  }
0x5f: {  	v3 =	vperm.xlane v3, v2;
	v4 =	vadd.s32 v1, v4;
	_ =	sdelay $0x1  }
0x60: {  	v3 =	vadd.s32 v1, v3;
	_ =	sdelay $0x1  }
0x61: {  	s19 =	simm.s32 $0x6400  }
0x62: {  	[tilespmem:s19], [sflag:$0x1] =	stream.indirect_vreg.gather [hbm4b:s1+s3], $0x80, v4, vm0, $0xb8;
	[tilespmem:$0x11400] =	vst v63  }
0x63: {  	s20 =	simm.s32 $0x6C00  }
0x64: {  	[tilespmem:s20], [sflag:$0x1] =	stream.indirect_vreg.gather [hbm4b:s1+s3], $0x80, v3, vm0, $0xb8;
	[tilespmem:$0x11400] =	vst v63  }
0x65: {  	v3 =	vld [tilespmem:$0x60];
	_ =	sdelay $0x4  }
0x66: {  	v62 =	vshll.u32 v3, $0x1  }
0x67: {  	v3 =	vand.u32 $0x7, v3;
	v4 =	vand.u32 $0xFFFFFFF0, v62  }
0x68: {  	v3 =	vor.u32 v3, v4  }
0x69: {  	v4 =	vperm.xlane v3, v0;
	_ =	sdelay $0x1  }
0x6a: {  	v3 =	vperm.xlane v3, v2;
	v4 =	vadd.s32 v1, v4;
	_ =	sdelay $0x1  }
0x6b: {  	v3 =	vadd.s32 v1, v3;
	_ =	sdelay $0x2  }
0x6c: {  	[tilespmem:s21], [sflag:$0x1] =	stream.indirect_vreg.gather [hbm4b:s1+s3], $0x80, v4, vm0, $0xb8;
	[tilespmem:$0x11400] =	vst v63  }
0x6d: {  	_ = 	snop  }
0x6e: {  	[tilespmem:s22], [sflag:$0x1] =	stream.indirect_vreg.gather [hbm4b:s1+s3], $0x80, v3, vm0, $0xb8;
	[tilespmem:$0x11400] =	vst v63  }
0x6f: {  	v3 =	vld [tilespmem:$0x70];
	_ =	sdelay $0x4  }
0x70: {  	v63 =	vshll.u32 v3, $0x1  }
0x71: {  	v3 =	vand.u32 $0x7, v3;
	v4 =	vand.u32 $0xFFFFFFF0, v63  }
0x72: {  	v3 =	vor.u32 v3, v4  }
0x73: {  	v4 =	vperm.xlane v3, v0;
	_ =	sdelay $0x1  }
0x74: {  	v3 =	vperm.xlane v3, v2;
	v4 =	vadd.s32 v1, v4;
	_ =	sdelay $0x1  }
0x75: {  	v3 =	vadd.s32 v1, v3  }
.Ltmp2:
0x76: {  	_ = 	snop;
	(pc) =	sbr.rel .LBB2_2-.Ltmp2, $4  }
0x77: {  	_ = 	snop  }
0x78: {  	[tilespmem:s23], [sflag:$0x1] =	stream.indirect_vreg.gather [hbm4b:s1+s3], $0x80, v4, vm0, $0xb8;
	[tilespmem:$0x11400] =	vst v63  }
0x79: {  	s18 =	simm.s32 $0xC0;
	s19 =	simm.s32 $0x0  }
0x7a: {  	[tilespmem:s24], [sflag:$0x1] =	stream.indirect_vreg.gather [hbm4b:s1+s3], $0x80, v3, vm0, $0xb8;
	[tilespmem:$0x11400] =	vst v63  }
.LBB2_4:
0x7b: {  	s20 =	sadd.s32 s19, s6;
	s19 =	sadd.s32 $0x2000, s19  }
0x7c: {  	p0 =	sne.s32 s19, $0x28000  }
.Ltmp3:
0x7d: {  	_ = 	snop;
	(pc) =	sbr.rel @!p0 .LBB2_5-.Ltmp3, $3  }
0x7e: {  	_ =	sdelay $0x1  }
0x7f: {  	s18 =	sadd.s32 $0x100, s18  }
0x80: {  	[hbm4b:s20+s3] =	stream.linear.scatter [tilespmem:s26], [sflag:$0x4], $0x8000, $0x38;
	[tilespmem:$0x11400] =	vst v63  }
.LBB2_2:
0x81: {  	_ =	swait.ge [sflag:s25], $0x8000  }
0x82: {  	p0 =	seq.s32 s19, $0x0;
	[sflag:s25] =	ssyncset.done $0x0  }
0x83: {  	s20 =	simm.s32 @!p0 $0x4;
	[sflag:s25] =	ssyncadd.s32 $0xFFFF8000  }
0x84: {  	_ =	swait.ge @!p0 [sflag:s20], $0x8000  }
0x85: {  	[sflag:s20] =	ssyncset.done @!p0 $0x0  }
0x86: {  	[sflag:s20] =	ssyncadd.s32 @!p0 $0xFFFF8000  }
0x87: {  	v3 =	vld [tilespmem:s18+$0xFFFFFFC0];
	_ =	sdelay $0x4  }
0x88: {  	v4 =	vshll.u32 v3, $0x1  }
0x89: {  	v3 =	vand.u32 $0x7, v3;
	v4 =	vand.u32 $0xFFFFFFF0, v4  }
0x8a: {  	v3 =	vor.u32 v3, v4  }
0x8b: {  	v4 =	vperm.xlane v3, v0;
	_ =	sdelay $0x1  }
0x8c: {  	v3 =	vperm.xlane v3, v2;
	v4 =	vadd.s32 v1, v4;
	_ =	sdelay $0x1  }
0x8d: {  	v3 =	vadd.s32 v1, v3;
	_ =	sdelay $0x2  }
0x8e: {  	[tilespmem:s26], [sflag:$0x2] =	stream.indirect_vreg.gather [hbm4b:s1+s3], $0x80, v4, vm0, $0xb8;
	[tilespmem:$0x11400] =	vst v63  }
0x8f: {  	_ = 	snop  }
0x90: {  	[tilespmem:s28], [sflag:$0x2] =	stream.indirect_vreg.gather [hbm4b:s1+s3], $0x80, v3, vm0, $0xb8;
	[tilespmem:$0x11400] =	vst v63  }
0x91: {  	v3 =	vld [tilespmem:s18+$0xFFFFFFD0];
	_ =	sdelay $0x4  }
0x92: {  	v57 =	vshll.u32 v3, $0x1  }
0x93: {  	v3 =	vand.u32 $0x7, v3;
	v4 =	vand.u32 $0xFFFFFFF0, v57  }
0x94: {  	v3 =	vor.u32 v3, v4  }
0x95: {  	v4 =	vperm.xlane v3, v0;
	_ =	sdelay $0x1  }
0x96: {  	v3 =	vperm.xlane v3, v2;
	v4 =	vadd.s32 v1, v4;
	_ =	sdelay $0x1  }
0x97: {  	v3 =	vadd.s32 v1, v3;
	_ =	sdelay $0x2  }
0x98: {  	[tilespmem:s29], [sflag:$0x2] =	stream.indirect_vreg.gather [hbm4b:s1+s3], $0x80, v4, vm0, $0xb8;
	[tilespmem:$0x11400] =	vst v63  }
0x99: {  	_ = 	snop  }
0x9a: {  	[tilespmem:s30], [sflag:$0x2] =	stream.indirect_vreg.gather [hbm4b:s1+s3], $0x80, v3, vm0, $0xb8;
	[tilespmem:$0x11400] =	vst v63  }
0x9b: {  	v3 =	vld [tilespmem:s18+$0xFFFFFFE0];
	_ =	sdelay $0x4  }
0x9c: {  	v58 =	vshll.u32 v3, $0x1  }
0x9d: {  	v3 =	vand.u32 $0x7, v3;
	v4 =	vand.u32 $0xFFFFFFF0, v58  }
0x9e: {  	v3 =	vor.u32 v3, v4  }
0x9f: {  	v4 =	vperm.xlane v3, v0;
	_ =	sdelay $0x1  }
0xa0: {  	v3 =	vperm.xlane v3, v2;
	v4 =	vadd.s32 v1, v4;
	_ =	sdelay $0x1  }
0xa1: {  	v3 =	vadd.s32 v1, v3;
	_ =	sdelay $0x2  }
0xa2: {  	[tilespmem:s31], [sflag:$0x2] =	stream.indirect_vreg.gather [hbm4b:s1+s3], $0x80, v4, vm0, $0xb8;
	[tilespmem:$0x11400] =	vst v63  }
0xa3: {  	_ = 	snop  }
0xa4: {  	[tilespmem:s2], [sflag:$0x2] =	stream.indirect_vreg.gather [hbm4b:s1+s3], $0x80, v3, vm0, $0xb8;
	[tilespmem:$0x11400] =	vst v63  }
0xa5: {  	v3 =	vld [tilespmem:s18+$0xFFFFFFF0];
	_ =	sdelay $0x4  }
0xa6: {  	v59 =	vshll.u32 v3, $0x1  }
0xa7: {  	v3 =	vand.u32 $0x7, v3;
	v4 =	vand.u32 $0xFFFFFFF0, v59  }
0xa8: {  	v3 =	vor.u32 v3, v4  }
0xa9: {  	v4 =	vperm.xlane v3, v0;
	_ =	sdelay $0x1  }
0xaa: {  	v3 =	vperm.xlane v3, v2;
	v4 =	vadd.s32 v1, v4;
	_ =	sdelay $0x1  }
0xab: {  	v3 =	vadd.s32 v1, v3;
	_ =	sdelay $0x2  }
0xac: {  	[tilespmem:s0], [sflag:$0x2] =	stream.indirect_vreg.gather [hbm4b:s1+s3], $0x80, v4, vm0, $0xb8;
	[tilespmem:$0x11400] =	vst v63  }
0xad: {  	_ = 	snop  }
0xae: {  	[tilespmem:s4], [sflag:$0x2] =	stream.indirect_vreg.gather [hbm4b:s1+s3], $0x80, v3, vm0, $0xb8;
	[tilespmem:$0x11400] =	vst v63  }
0xaf: {  	v3 =	vld [tilespmem:s18+$0x0];
	_ =	sdelay $0x4  }
0xb0: {  	v60 =	vshll.u32 v3, $0x1  }
0xb1: {  	v3 =	vand.u32 $0x7, v3;
	v4 =	vand.u32 $0xFFFFFFF0, v60  }
0xb2: {  	v3 =	vor.u32 v3, v4  }
0xb3: {  	v4 =	vperm.xlane v3, v0;
	_ =	sdelay $0x1  }
0xb4: {  	v3 =	vperm.xlane v3, v2;
	v4 =	vadd.s32 v1, v4;
	_ =	sdelay $0x1  }
0xb5: {  	v3 =	vadd.s32 v1, v3;
	_ =	sdelay $0x2  }
0xb6: {  	[tilespmem:s5], [sflag:$0x2] =	stream.indirect_vreg.gather [hbm4b:s1+s3], $0x80, v4, vm0, $0xb8;
	[tilespmem:$0x11400] =	vst v63  }
0xb7: {  	_ = 	snop  }
0xb8: {  	[tilespmem:s8], [sflag:$0x2] =	stream.indirect_vreg.gather [hbm4b:s1+s3], $0x80, v3, vm0, $0xb8;
	[tilespmem:$0x11400] =	vst v63  }
0xb9: {  	v3 =	vld [tilespmem:s18+$0x10];
	_ =	sdelay $0x4  }
0xba: {  	v61 =	vshll.u32 v3, $0x1  }
0xbb: {  	v3 =	vand.u32 $0x7, v3;
	v4 =	vand.u32 $0xFFFFFFF0, v61  }
0xbc: {  	v3 =	vor.u32 v3, v4  }
0xbd: {  	v4 =	vperm.xlane v3, v0;
	_ =	sdelay $0x1  }
0xbe: {  	v3 =	vperm.xlane v3, v2;
	v4 =	vadd.s32 v1, v4;
	_ =	sdelay $0x1  }
0xbf: {  	v3 =	vadd.s32 v1, v3;
	_ =	sdelay $0x2  }
0xc0: {  	[tilespmem:s10], [sflag:$0x2] =	stream.indirect_vreg.gather [hbm4b:s1+s3], $0x80, v4, vm0, $0xb8;
	[tilespmem:$0x11400] =	vst v63  }
0xc1: {  	_ = 	snop  }
0xc2: {  	[tilespmem:s11], [sflag:$0x2] =	stream.indirect_vreg.gather [hbm4b:s1+s3], $0x80, v3, vm0, $0xb8;
	[tilespmem:$0x11400] =	vst v63  }
0xc3: {  	v3 =	vld [tilespmem:s18+$0x20];
	_ =	sdelay $0x4  }
0xc4: {  	v62 =	vshll.u32 v3, $0x1  }
0xc5: {  	v3 =	vand.u32 $0x7, v3;
	v4 =	vand.u32 $0xFFFFFFF0, v62  }
0xc6: {  	v3 =	vor.u32 v3, v4  }
0xc7: {  	v4 =	vperm.xlane v3, v0;
	_ =	sdelay $0x1  }
0xc8: {  	v3 =	vperm.xlane v3, v2;
	v4 =	vadd.s32 v1, v4;
	_ =	sdelay $0x1  }
0xc9: {  	v3 =	vadd.s32 v1, v3;
	_ =	sdelay $0x2  }
0xca: {  	[tilespmem:s12], [sflag:$0x2] =	stream.indirect_vreg.gather [hbm4b:s1+s3], $0x80, v4, vm0, $0xb8;
	[tilespmem:$0x11400] =	vst v63  }
0xcb: {  	_ = 	snop  }
0xcc: {  	[tilespmem:s13], [sflag:$0x2] =	stream.indirect_vreg.gather [hbm4b:s1+s3], $0x80, v3, vm0, $0xb8;
	[tilespmem:$0x11400] =	vst v63  }
0xcd: {  	v3 =	vld [tilespmem:s18+$0x30];
	_ =	sdelay $0x4  }
0xce: {  	v63 =	vshll.u32 v3, $0x1  }
0xcf: {  	v3 =	vand.u32 $0x7, v3;
	v4 =	vand.u32 $0xFFFFFFF0, v63  }
0xd0: {  	v3 =	vor.u32 v3, v4  }
0xd1: {  	v4 =	vperm.xlane v3, v0;
	_ =	sdelay $0x1  }
0xd2: {  	v3 =	vperm.xlane v3, v2;
	v4 =	vadd.s32 v1, v4;
	_ =	sdelay $0x1  }
0xd3: {  	v3 =	vadd.s32 v1, v3;
	_ =	sdelay $0x2  }
0xd4: {  	[tilespmem:s14], [sflag:$0x2] =	stream.indirect_vreg.gather [hbm4b:s1+s3], $0x80, v4, vm0, $0xb8;
	[tilespmem:$0x11400] =	vst v63  }
0xd5: {  	_ = 	snop  }
0xd6: {  	[tilespmem:s15], [sflag:$0x2] =	stream.indirect_vreg.gather [hbm4b:s1+s3], $0x80, v3, vm0, $0xb8;
	[tilespmem:$0x11400] =	vst v63  }
0xd7: {  	s20 =	sadd.s32 s19, s7  }
0xd8: {  	[hbm4b:s20+s3] =	stream.linear.scatter [tilespmem:s9], [sflag:$0x3], $0x8000, $0x38;
	[tilespmem:$0x11400] =	vst v63  }
0xd9: {  	p0 =	seq.s32 s19, $0x26000;
	_ =	swait.ge [sflag:s16], $0x8000  }
.Ltmp4:
0xda: {  	[sflag:s16] =	ssyncset.done $0x0;
	(pc) =	sbr.rel @p0 .LBB2_4-.Ltmp4, $4  }
0xdb: {  	[sflag:s16] =	ssyncadd.s32 $0xFFFF8000  }
0xdc: {  	_ =	swait.ge [sflag:s17], $0x8000  }
0xdd: {  	[sflag:s17] =	ssyncset.done $0x0  }
0xde: {  	[sflag:s17] =	ssyncadd.s32 $0xFFFF8000  }
0xdf: {  	v3 =	vld [tilespmem:s18+$0x40];
	_ =	sdelay $0x4  }
0xe0: {  	v4 =	vshll.u32 v3, $0x1  }
0xe1: {  	v3 =	vand.u32 $0x7, v3;
	v4 =	vand.u32 $0xFFFFFFF0, v4  }
0xe2: {  	v3 =	vor.u32 v3, v4  }
0xe3: {  	v4 =	vperm.xlane v3, v0;
	_ =	sdelay $0x1  }
0xe4: {  	v3 =	vperm.xlane v3, v2;
	v4 =	vadd.s32 v1, v4;
	_ =	sdelay $0x1  }
0xe5: {  	v3 =	vadd.s32 v1, v3;
	_ =	sdelay $0x2  }
0xe6: {  	[tilespmem:s9], [sflag:$0x1] =	stream.indirect_vreg.gather [hbm4b:s1+s3], $0x80, v4, vm0, $0xb8;
	[tilespmem:$0x11400] =	vst v63  }
0xe7: {  	s20 =	simm.s32 $0x1C00  }
0xe8: {  	[tilespmem:s20], [sflag:$0x1] =	stream.indirect_vreg.gather [hbm4b:s1+s3], $0x80, v3, vm0, $0xb8;
	[tilespmem:$0x11400] =	vst v63  }
0xe9: {  	v3 =	vld [tilespmem:s18+$0x50];
	_ =	sdelay $0x4  }
0xea: {  	v57 =	vshll.u32 v3, $0x1  }
0xeb: {  	v3 =	vand.u32 $0x7, v3;
	v4 =	vand.u32 $0xFFFFFFF0, v57  }
0xec: {  	v3 =	vor.u32 v3, v4  }
0xed: {  	v4 =	vperm.xlane v3, v0;
	_ =	sdelay $0x1  }
0xee: {  	v3 =	vperm.xlane v3, v2;
	v4 =	vadd.s32 v1, v4;
	_ =	sdelay $0x1  }
0xef: {  	v3 =	vadd.s32 v1, v3;
	_ =	sdelay $0x1  }
0xf0: {  	s20 =	simm.s32 $0x2400  }
0xf1: {  	[tilespmem:s20], [sflag:$0x1] =	stream.indirect_vreg.gather [hbm4b:s1+s3], $0x80, v4, vm0, $0xb8;
	[tilespmem:$0x11400] =	vst v63  }
0xf2: {  	s20 =	simm.s32 $0x2C00  }
0xf3: {  	[tilespmem:s20], [sflag:$0x1] =	stream.indirect_vreg.gather [hbm4b:s1+s3], $0x80, v3, vm0, $0xb8;
	[tilespmem:$0x11400] =	vst v63  }
0xf4: {  	v3 =	vld [tilespmem:s18+$0x60];
	_ =	sdelay $0x4  }
0xf5: {  	v58 =	vshll.u32 v3, $0x1  }
0xf6: {  	v3 =	vand.u32 $0x7, v3;
	v4 =	vand.u32 $0xFFFFFFF0, v58  }
0xf7: {  	v3 =	vor.u32 v3, v4  }
0xf8: {  	v4 =	vperm.xlane v3, v0;
	_ =	sdelay $0x1  }
0xf9: {  	v3 =	vperm.xlane v3, v2;
	v4 =	vadd.s32 v1, v4;
	_ =	sdelay $0x1  }
0xfa: {  	v3 =	vadd.s32 v1, v3;
	_ =	sdelay $0x1  }
0xfb: {  	s20 =	simm.s32 $0x3400  }
0xfc: {  	[tilespmem:s20], [sflag:$0x1] =	stream.indirect_vreg.gather [hbm4b:s1+s3], $0x80, v4, vm0, $0xb8;
	[tilespmem:$0x11400] =	vst v63  }
0xfd: {  	s20 =	simm.s32 $0x3C00  }
0xfe: {  	[tilespmem:s20], [sflag:$0x1] =	stream.indirect_vreg.gather [hbm4b:s1+s3], $0x80, v3, vm0, $0xb8;
	[tilespmem:$0x11400] =	vst v63  }
0xff: {  	v3 =	vld [tilespmem:s18+$0x70];
	_ =	sdelay $0x4  }
0x100: {  	v59 =	vshll.u32 v3, $0x1  }
0x101: {  	v3 =	vand.u32 $0x7, v3;
	v4 =	vand.u32 $0xFFFFFFF0, v59  }
0x102: {  	v3 =	vor.u32 v3, v4  }
0x103: {  	v4 =	vperm.xlane v3, v0;
	_ =	sdelay $0x1  }
0x104: {  	v3 =	vperm.xlane v3, v2;
	v4 =	vadd.s32 v1, v4;
	_ =	sdelay $0x1  }
0x105: {  	v3 =	vadd.s32 v1, v3;
	_ =	sdelay $0x1  }
0x106: {  	s20 =	simm.s32 $0x4400  }
0x107: {  	[tilespmem:s20], [sflag:$0x1] =	stream.indirect_vreg.gather [hbm4b:s1+s3], $0x80, v4, vm0, $0xb8;
	[tilespmem:$0x11400] =	vst v63  }
0x108: {  	s20 =	simm.s32 $0x4C00  }
0x109: {  	[tilespmem:s20], [sflag:$0x1] =	stream.indirect_vreg.gather [hbm4b:s1+s3], $0x80, v3, vm0, $0xb8;
	[tilespmem:$0x11400] =	vst v63  }
0x10a: {  	v3 =	vld [tilespmem:s18+$0x80];
	_ =	sdelay $0x4  }
0x10b: {  	v60 =	vshll.u32 v3, $0x1  }
0x10c: {  	v3 =	vand.u32 $0x7, v3;
	v4 =	vand.u32 $0xFFFFFFF0, v60  }
0x10d: {  	v3 =	vor.u32 v3, v4  }
0x10e: {  	v4 =	vperm.xlane v3, v0;
	_ =	sdelay $0x1  }
0x10f: {  	v3 =	vperm.xlane v3, v2;
	v4 =	vadd.s32 v1, v4;
	_ =	sdelay $0x1  }
0x110: {  	v3 =	vadd.s32 v1, v3;
	_ =	sdelay $0x1  }
0x111: {  	s20 =	simm.s32 $0x5400  }
0x112: {  	[tilespmem:s20], [sflag:$0x1] =	stream.indirect_vreg.gather [hbm4b:s1+s3], $0x80, v4, vm0, $0xb8;
	[tilespmem:$0x11400] =	vst v63  }
0x113: {  	s20 =	simm.s32 $0x5C00  }
0x114: {  	[tilespmem:s20], [sflag:$0x1] =	stream.indirect_vreg.gather [hbm4b:s1+s3], $0x80, v3, vm0, $0xb8;
	[tilespmem:$0x11400] =	vst v63  }
0x115: {  	v3 =	vld [tilespmem:s18+$0x90];
	_ =	sdelay $0x4  }
0x116: {  	v61 =	vshll.u32 v3, $0x1  }
0x117: {  	v3 =	vand.u32 $0x7, v3;
	v4 =	vand.u32 $0xFFFFFFF0, v61  }
0x118: {  	v3 =	vor.u32 v3, v4  }
0x119: {  	v4 =	vperm.xlane v3, v0;
	_ =	sdelay $0x1  }
0x11a: {  	v3 =	vperm.xlane v3, v2;
	v4 =	vadd.s32 v1, v4;
	_ =	sdelay $0x1  }
0x11b: {  	v3 =	vadd.s32 v1, v3;
	_ =	sdelay $0x1  }
0x11c: {  	s20 =	simm.s32 $0x6400  }
0x11d: {  	[tilespmem:s20], [sflag:$0x1] =	stream.indirect_vreg.gather [hbm4b:s1+s3], $0x80, v4, vm0, $0xb8;
	[tilespmem:$0x11400] =	vst v63  }
0x11e: {  	s20 =	simm.s32 $0x6C00  }
0x11f: {  	[tilespmem:s20], [sflag:$0x1] =	stream.indirect_vreg.gather [hbm4b:s1+s3], $0x80, v3, vm0, $0xb8;
	[tilespmem:$0x11400] =	vst v63  }
0x120: {  	v3 =	vld [tilespmem:s18+$0xA0];
	_ =	sdelay $0x4  }
0x121: {  	v62 =	vshll.u32 v3, $0x1  }
0x122: {  	v3 =	vand.u32 $0x7, v3;
	v4 =	vand.u32 $0xFFFFFFF0, v62  }
0x123: {  	v3 =	vor.u32 v3, v4  }
0x124: {  	v4 =	vperm.xlane v3, v0;
	_ =	sdelay $0x1  }
0x125: {  	v3 =	vperm.xlane v3, v2;
	v4 =	vadd.s32 v1, v4;
	_ =	sdelay $0x1  }
0x126: {  	v3 =	vadd.s32 v1, v3;
	_ =	sdelay $0x2  }
0x127: {  	[tilespmem:s21], [sflag:$0x1] =	stream.indirect_vreg.gather [hbm4b:s1+s3], $0x80, v4, vm0, $0xb8;
	[tilespmem:$0x11400] =	vst v63  }
0x128: {  	_ = 	snop  }
0x129: {  	[tilespmem:s22], [sflag:$0x1] =	stream.indirect_vreg.gather [hbm4b:s1+s3], $0x80, v3, vm0, $0xb8;
	[tilespmem:$0x11400] =	vst v63  }
0x12a: {  	v3 =	vld [tilespmem:s18+$0xB0];
	_ =	sdelay $0x4  }
0x12b: {  	v63 =	vshll.u32 v3, $0x1  }
0x12c: {  	v3 =	vand.u32 $0x7, v3;
	v4 =	vand.u32 $0xFFFFFFF0, v63  }
0x12d: {  	v3 =	vor.u32 v3, v4  }
0x12e: {  	v4 =	vperm.xlane v3, v0;
	_ =	sdelay $0x1  }
0x12f: {  	v3 =	vperm.xlane v3, v2;
	v4 =	vadd.s32 v1, v4;
	_ =	sdelay $0x1  }
0x130: {  	v3 =	vadd.s32 v1, v3  }
.Ltmp5:
0x131: {  	_ = 	snop;
	(pc) =	sbr.rel .LBB2_4-.Ltmp5, $4  }
0x132: {  	_ = 	snop  }
0x133: {  	[tilespmem:s23], [sflag:$0x1] =	stream.indirect_vreg.gather [hbm4b:s1+s3], $0x80, v4, vm0, $0xb8;
	[tilespmem:$0x11400] =	vst v63  }
0x134: {  	_ = 	snop  }
0x135: {  	[tilespmem:s24], [sflag:$0x1] =	stream.indirect_vreg.gather [hbm4b:s1+s3], $0x80, v3, vm0, $0xb8;
	[tilespmem:$0x11400] =	vst v63  }
.LBB2_6:
0x136: {  	_ =	sfence.sel $0x180000  }
0x137: {  	[bflag:$0x0] =	sbarrier.arrive $0xFFFF  }
0x138: {  	_ =	strace $0x90000047  }
0x139: {  	s0 =	stileid.u32;
	[bflag:$0x2] =	sbarrier.arrive $0xFFFF  }
0x13a: {  	p0 =	sne.s32 s0, $0x0;
	s0 =	rddreg [dreg:$0x3]  }
0x13b: {  	s0 =	sadd.s32 @!p0 $0x100000, s0  }
0x13c: {  	[sflag:s0] =	ssyncadd.tile.s32 @!p0 $0x1;
	_ =	shalt  }
.Lfunc_end2:
_tile_overlayer_lowered:
.L_overlay_start_2:
0x13d: {  	(tag) =	ssettag $0x2  }
0x13e: {  	s0 =	rddreg [dreg:$0x0];
	s2 =	stileid.u32  }
0x13f: {  	s1 =	rddreg [dreg:$0x1];
	p0 =	sne.s32 s2, $0x0  }
0x140: {  	s3 =	rddreg [dreg:$0x2];
	[bflag:$0x3] =	sbarrier.arrive $0xFFFF;
	s2 =	simm.s32 @!p0 $0x1C05  }
0x141: {  	[timem:s3], [sflag:s2] =	dma.local @!p0 [hbm:s0], s1  }
0x142: {  	s0 =	simm.s32 @!p0 $0x5  }
0x143: {  	_ =	swait.ge @!p0 [sflag:s0], s1  }
0x144: {  	s1 =	ssub.s32 @!p0 $0x0, s1;
	[sflag:s0] =	ssyncset.done @!p0 $0x0  }
0x145: {  	[sflag:s0] =	ssyncadd.s32 @!p0 s1  }
0x146: {  	[bflag:$0x3] =	sbarrier.arrive $0xFFFF  }
0x147: {  	_ =	shalt  }

// kernel: sparse-core-data-format-call.cloned.1.call-start
scs
called_computation_lowered:
.L_overlay_start_0:
0x0: {  	s2 =	sld [smem:$0x3FD9]  }
0x1: {  	s3 =	sld [smem:$0x3FFE];
	_ =	sdelay $0x1  }
0x2: {  	s1 =	srdreg.scid  }
0x3: {  	s0 =	sand.u32 $0x1, s1  }
0x4: {  	s18 =	sshll.u32 s0, $0xA;
	s2 =	sadd.s32 s3, s2  }
0x5: {  	s2 =	sadd.s32 s2, s18  }
0x6: {  	[smem:$0x3FC7] =	sst s2  }
0x7: {  	_ = 	snop  }
0x8: {  	s2 =	sld [smem:$0x3FD0];
	(tm) =	ssettm $0x1  }
0x9: {  	s19 =	sld [smem:$0x3FFB];
	_ =	sdelay $0x3  }
0xa: {  	_ =	strace s19  }
0xb: {  	s3 =	sld [smem:$0x3FFC];
	_ =	sdelay $0x3  }
0xc: {  	_ =	strace s3  }
0xd: {  	s3 =	sld [smem:$0x3FFD];
	_ =	sdelay $0x3  }
0xe: {  	_ =	strace s3  }
0xf: {  	_ =	strace $0x8FFFFFFF  }
0x10: {  	s20 =	sld [smem:$0x3FDB];
	_ =	sdelay $0x1  }
0x11: {  	s4 =	simm.s32 $_scs_section_size  }
0x12: {  	s5 =	simm.s32 $_size__tile_overlayer_lowered;
	s6 =	simm.s32 $_tile_overlayer_lowered  }
0x13: {  	s23 =	simm.s32 $0x1BFF;
	s22 =	sshll.u32 s6, $0x1;
	s3 =	sadd.s32 s4, s20  }
0x14: {  	s7 =	simm.s32 $0x0;
	s21 =	sshll.u32 s5, $0x1;
	s5 =	sadd.s32 s22, s3  }
0x15: {  	[timem:s7], [sflag:s23] =	dma.local [hbm:s5], s21  }
0x16: {  	_ =	swait.ge [sflag:s23], s21  }
0x17: {  	s4 =	ssub.s32 $0x0, s21;
	[sflag:s23] =	ssyncset.done $0x0  }
0x18: {  	[sflag:s23] =	ssyncadd.s32 s4;
	_ =	sdelay $0x1  }
0x19: {  	s24 =	simm.s32 $0x1B8B  }
0x1a: {  	_ =	swait.ge [sflag:s24], $0x1  }
0x1b: {  	[sflag:s24] =	ssyncset.done $0x0  }
0x1c: {  	s26 =	simm.s32 $0x1B8E;
	s25 =	sld [smem:$0x3FFE];
	[sflag:s24] =	ssyncadd.s32 $0xFFFFFFFF  }
0x1d: {  	s27 =	simm.s32 $execute0_lowered;
	[smem:$0x3FD2] =	sst s26  }
0x1e: {  	s5 =	sshll.u32 s27, $0x1;
	_ =	strace $0x80000049;
	[dreg:$0x1] =	wrdreg $0xFFFFFFFF  }
0x1f: {  	s28 =	simm.s32 $_size_execute0_lowered;
	s3 =	sadd.s32 s3, s5;
	[dreg:$0x0] =	wrdreg $0x0  }
0x20: {  	s5 =	sshll.u32 s28, $0x1;
	[dreg:$0x2] =	wrdreg s3  }
0x21: {  	[dreg:$0x3] =	wrdreg s5  }
0x22: {  	[dreg:$0x4] =	wrdreg $0xC0  }
0x23: {  	_ =	task [dreg:s7], $0x5FFFF  }
0x24: {  	[dreg:$0x1] =	wrdreg $0xFFFFFFFF  }
0x25: {  	[dreg:$0x0] =	wrdreg $0x60  }
0x26: {  	[dreg:$0x2] =	wrdreg s25  }
0x27: {  	[dreg:$0x3] =	wrdreg s2  }
0x28: {  	[dreg:$0x4] =	wrdreg $0x9  }
0x29: {  	_ =	task.clear_ibuf [dreg:s7], $0x5FFFF;
	_ =	strace $0x90000049  }
0x2a: {  	s29 =	simm.s32 $0x9;
	_ =	strace $0x8000004B  }
0x2b: {  	_ =	swait.ge [sflag:s29], $0x1  }
0x2c: {  	[sflag:s29] =	ssyncadd.s32 $0xFFFFFFFF  }
0x2d: {  	_ =	strace $0x9000004B  }
0x2e: {  	_ =	sfence  }
0x2f: {  	s30 =	sld [smem:$0x0];
	_ =	sdelay $0x2  }
0x30: {  	s31 =	sshll.u32 s1, $0xD;
	s1 =	sshrl.u32 s1, $0x2  }
0x31: {  	s3 =	sand.u32 $0x4000, s31;
	s1 =	sadd.s32 s1, s30  }
0x32: {  	s0 =	sor.u32 s3, s0;
	s1 =	sshll.u32 s1, $0x11  }
0x33: {  	s0 =	sor.u32 s1, s0  }
0x34: {  	s0 =	sadd.s32 $0x8F2B, s0  }
0x35: {  	[sflag:s0] =	ssyncadd.remote.s32 $0x1  }
0x36: {  	_ =	sfence.sel $0xFFFF  }
0x37: {  	[dreg:$0x0] =	wrdreg $0xFFFFFFFF;
	(pc) =	sbr.abs _section_cstart, $3  }
0x38: {  	[dreg:$0x1] =	wrdreg $0xFFFFFFFF  }
0x39: {  	_ =	task.clear_ibuf [dreg:s7], $0x2FFFF;
	_ =	strace $0x9FFFFFFF  }
0x3a: {  	(tm) =	ssettm $0x7FFFFFFF  }
0x3b: {  	_ =	shalt  }
tec
execute0_lowered:
.L_overlay_start_1:
0x0: {  	(tag) =	ssettag $0x1  }
0x1: {  	s0 =	stileid.u32  }
0x2: {  	s1 =	srdreg.scid;
	s6 =	rddreg [dreg:$0x0];
	s4 =	simm.s32 $0x1  }
0x3: {  	s8 =	simm.s32 $0x2;
	s2 =	sshll.u32 s0, $0x5;
	s1 =	sshll.u32 s1, $0x9  }
0x4: {  	s16 =	simm.s32 $0x0;
	s9 =	simm.s32 $0x800;
	s1 =	sor.u32 s2, s1  }
0x5: {  	s10 =	simm.s32 $0x0;
	s17 =	simm.s32 $0x0;
	s2 =	sand.u32 $0x380, s1  }
0x6: {  	s19 =	simm.s32 $0x0;
	s18 =	simm.s32 $0x0;
	s1 =	ssub.s32 $0x800, s2  }
0x7: {  	s11 =	simm.s32 $0x0;
	s12 =	simm.s32 $0x0;
	s3 =	sand.u32 $0x380, s1  }
0x8: {  	s15 =	simm.s32 $0x0;
	s5 =	sshrl.u32 s1, $0xA;
	p0 =	sne.s32 s3, $0x0  }
.Ltmp0:
0x9: {  	s1 =	rddreg [dreg:$0x2];
	s4 =	simm.s32 @!p0 $0x0;
	(pc) =	sbr.rel .LBB1_1-.Ltmp0, $4  }
0xa: {  	s7 =	sand.u32 $0x3, s0;
	s3 =	rddreg [dreg:$0x1];
	s5 =	sadd.s32 s4, s5  }
0xb: {  	_ =	strace $0x8000004A;
	s4 =	simm.s32 $0x1;
	s5 =	smul.u32 $0x28, s5  }
0xc: {  	s6 =	sadd.s32 $0x600, s6;
	s14 =	smov.u32 s7;
	[sflag:s4] =	ssyncpa.u1 $0x0  }
0xd: {  	s13 =	smov.u32 s2;
	[sflag:s8] =	ssyncpa.u1 $0x0;
	s8 =	sor.u32 $0x1, s5  }
.LBB1_4:
0xe: {  	_ =	sdelay $0x3  }
0xf: {  	[tilespmem:v0+s22+$0xFFFFFFD0 ss:$0x1] =	vst.idx.msk $0xffff, v6  }
0x10: {  	v56 =	vld.idx.msk [tilespmem:v1+s21+$0x0 ss:$0x1], $0xffff;
	[tilespmem:v0+s22+$0xFFFFFFE0 ss:$0x1] =	vst.idx.msk $0xffff, v4  }
0x11: {  	v57 =	vld.idx.msk [tilespmem:v1+s21+$0xFFFFFF90 ss:$0x1], $0xffff;
	[tilespmem:v0+s22+$0xFFFFFFF0 ss:$0x1] =	vst.idx.msk $0xffff, v2  }
0x12: {  	v58 =	vld.idx.msk [tilespmem:v1+s21+$0xFFFFFFA0 ss:$0x1], $0xffff;
	[tilespmem:v0+s22+$0x0 ss:$0x1] =	vst.idx.msk $0xffff, v3  }
0x13: {  	v59 =	vld.idx.msk [tilespmem:v1+s21+$0xFFFFFFB0 ss:$0x1], $0xffff;
	[tilespmem:v0+s22+$0x10 ss:$0x1] =	vst.idx.msk $0xffff, v5  }
0x14: {  	v60 =	vld.idx.msk [tilespmem:v1+s21+$0xFFFFFFC0 ss:$0x1], $0xffff;
	[tilespmem:v0+s22+$0x20 ss:$0x1] =	vst.idx.msk $0xffff, v7  }
0x15: {  	s27 =	sshll.u32 s19, $0x8;
	s23 =	sshll.u32 s16, $0x3;
	v61 =	vld.idx.msk [tilespmem:v1+s21+$0xFFFFFFD0 ss:$0x1], $0xffff;
	s24 =	sand.u32 $0x78, s16;
	[tilespmem:v0+s21+$0x30 ss:$0x1] =	vst.idx.msk $0xffff, v56  }
0x16: {  	v62 =	vld.idx.msk [tilespmem:v1+s21+$0xFFFFFFE0 ss:$0x1], $0xffff;
	s28 =	sshll.u32 s19, $0x7;
	s18 =	smul.u32 $0x140000, s18;
	s17 =	sshll.u32 s17, $0x10;
	[tilespmem:v0+s21+$0xFFFFFFC0 ss:$0x1] =	vst.idx.msk $0xffff, v57  }
0x17: {  	v63 =	vld.idx.msk [tilespmem:v1+s21+$0xFFFFFFF0 ss:$0x1], $0xffff;
	s30 =	sand.u32 $0x7, s16;
	s22 =	sand.u32 $0x7F800, s27;
	s23 =	sand.u32 $0x7FC00, s23;
	[tilespmem:v0+s21+$0xFFFFFFD0 ss:$0x1] =	vst.idx.msk $0xffff, v58  }
0x18: {  	s29 =	sand.u32 $0x300, s28;
	s19 =	sand.u32 $0x80, s28;
	s22 =	sadd.s32 s22, s23;
	[tilespmem:v0+s21+$0xFFFFFFE0 ss:$0x1] =	vst.idx.msk $0xffff, v59  }
0x19: {  	s19 =	sor.u32 s19, s24;
	s18 =	sadd.s32 s3, s18;
	s22 =	sor.u32 s29, s22;
	[tilespmem:v0+s21+$0xFFFFFFF0 ss:$0x1] =	vst.idx.msk $0xffff, v60  }
0x1a: {  	s19 =	sshrl.u32 s19, $0x3;
	s17 =	sadd.s32 s17, s18;
	s22 =	sshrl.u32 s22, $0x3;
	[tilespmem:v0+s21+$0x0 ss:$0x1] =	vst.idx.msk $0xffff, v61  }
0x1b: {  	s16 =	sshll.u32 s30, $0x12;
	s17 =	sadd.s32 s19, s17;
	[tilespmem:v0+s21+$0x10 ss:$0x1] =	vst.idx.msk $0xffff, v62;
	s31 =	sand.u32 $0xFFE0, s22  }
0x1c: {  	s16 =	sor.u32 $0x400, s16;
	[tilespmem:v0+s21+$0x20 ss:$0x1] =	vst.idx.msk $0xffff, v63;
	s17 =	sadd.s32 s31, s17  }
0x1d: {  	[hbm4b:s17+s16] =	stream.strided.scatter [tilespmem:s20], [sflag:$0x2], $0x4000, s9, s16, $0x38;
	[tilespmem:$0x10000] =	vst v63  }
.LBB1_5:
0x1e: {  	s20 =	sadd.s32 $0x80, s11  }
0x1f: {  	s16 =	simm.s32 $0x1;
	p1 =	sgt.s32 s20, $0xFF  }
0x20: {  	s16 =	simm.s32 @!p1 $0x0  }
0x21: {  	s21 =	sadd.s32 s16, s12  }
0x22: {  	s22 =	smov.u32 s13;
	s16 =	sadd.s32 $0x400, s13;
	p2 =	sgt.s32 s21, $0x13  }
0x23: {  	s22 =	smov.u32 @p2 s16  }
0x24: {  	s23 =	smov.u32 s14;
	s16 =	sadd.s32 $0x4, s14;
	p3 =	sgt.s32 s22, $0x7FF  }
0x25: {  	p0 =	slt.u32 s15, $0x2;
	s23 =	smov.u32 @p3 s16  }
0x26: {  	s17 =	smov.u32 s12;
	s20 =	simm.s32 @p1 $0x0;
	p1 =	sgt.s32 s23, $0x3  }
0x27: {  	s24 =	simm.s32 @!p0 $0x2;
	s23 =	smov.u32 @p1 s7;
	p1 =	sne.s32 s15, s8  }
.Ltmp1:
0x28: {  	s19 =	smov.u32 s13;
	_ =	swait.ge @!p0 [sflag:s24], $0x4000;
	(pc) =	sbr.rel @!p1 .LBB1_6-.Ltmp1, $4  }
0x29: {  	s18 =	smov.u32 s14;
	[sflag:s24] =	ssyncset.done @!p0 $0x0;
	s21 =	simm.s32 @p2 $0x0  }
0x2a: {  	s10 =	sadd.s32 $0x4000, s10;
	[sflag:s24] =	ssyncadd.s32 @!p0 $0xFFFFC000;
	s12 =	smov.u32 s21  }
0x2b: {  	s22 =	smov.u32 @p3 s2;
	s16 =	smov.u32 s11;
	s11 =	smov.u32 s20  }
0x2c: {  	s13 =	smov.u32 s22;
	s15 =	sadd.s32 $0x1, s15;
	s14 =	smov.u32 s23  }
.LBB1_1:
0x2d: {  	p0 =	sge.u32 s15, s5  }
0x2e: {  	s20 =	sshll.u32 @!p0 s12, $0x8;
	s21 =	sshll.u32 @!p0 s11, $0x3  }
0x2f: {  	s22 =	sshll.u32 @!p0 s12, $0x7;
	s20 =	sand.u32 @!p0 $0xFFFFF800, s20;
	s21 =	sand.u32 @!p0 $0xFFFFFC00, s21  }
0x30: {  	s20 =	sadd.s32 @!p0 s20, s21;
	s21 =	sand.u32 @!p0 $0x300, s22  }
0x31: {  	s20 =	sor.u32 @!p0 s21, s20  }
0x32: {  	s20 =	sshrl.u32 @!p0 s20, $0x8  }
0x33: {  	s21 =	smulhi.u32 @!p0 $0xAAAAAAB, s20  }
0x34: {  	s31 =	sadd.s32 $0xFFFFFFFF, s15;
	s23 =	sxor.u32 @!p0 $0xFFFFFFFF, s15;
	s25 =	smul.u32 @!p0 $0x180000, s14  }
0x35: {  	s24 =	sand.u32 @!p0 $0x78, s11;
	s22 =	sand.u32 @!p0 $0x80, s22;
	s21 =	smul.u32 @!p0 $0x18, s21  }
0x36: {  	s23 =	sshll.u32 @!p0 s23, $0xE;
	s22 =	sor.u32 @!p0 s24, s22;
	s24 =	smul.u32 @!p0 $0x300, s13  }
0x37: {  	s20 =	ssub.s32 @!p0 s20, s21;
	s21 =	sand.u32 @!p0 $0x4000, s23;
	s23 =	sadd.s32 @!p0 s6, s25  }
0x38: {  	s22 =	sshrl.u32 @!p0 s22, $0x3;
	s23 =	sadd.s32 @!p0 s24, s23;
	s24 =	sand.u32 @!p0 $0x7, s11  }
0x39: {  	s20 =	sshll.u32 @!p0 s20, $0x5;
	s22 =	sadd.s32 @!p0 s22, s23;
	s23 =	sshll.u32 @!p0 s24, $0x12  }
0x3a: {  	s20 =	sadd.s32 @!p0 s20, s22;
	s22 =	sor.u32 @!p0 $0x80, s23;
	s23 =	simm.s32 @!p0 $0x1800  }
0x3b: {  	[tilespmem:s21], [sflag:$0x1] =	stream.strided.gather @!p0 [hbm4b:s20+s22], $0x4000, s23, s22, $0x38;
	[tilespmem:$0x10000] =	vst v63  }
0x3c: {  	p0 =	sge.u32 s31, s5  }
.Ltmp2:
0x3d: {  	_ = 	snop;
	(pc) =	sbr.rel @p0 .LBB1_5-.Ltmp2, $1  }
0x3e: {  	_ =	sdelay $0x3  }
0x3f: {  	s20 =	sand.u32 $0x4000, s10  }
0x40: {  	s21 =	sor.u32 $0x70, s20  }
0x41: {  	v1 =	vmov s21;
	_ =	sdelay $0x1  }
0x42: {  	_ =	swait.ge [sflag:s4], $0x4000  }
0x43: {  	[sflag:s4] =	ssyncset.done $0x0  }
0x44: {  	s22 =	simm.s32 $0x0;
	[sflag:s4] =	ssyncadd.s32 $0xFFFFC000  }
0x45: {  	s20 =	sor.u32 $0x8040, s20;
	v7 =	vld.idx.msk [tilespmem:v1+s22+$0x0 ss:$0x1], $0xffff  }
0x46: {  	v0 =	vmov s20;
	v8 =	vld.idx.msk [tilespmem:v1+s22+$0xFFFFFF90 ss:$0x1], $0xffff  }
0x47: {  	v6 =	vld.idx.msk [tilespmem:v1+s22+$0xFFFFFFA0 ss:$0x1], $0xffff  }
0x48: {  	v4 =	vld.idx.msk [tilespmem:v1+s22+$0xFFFFFFB0 ss:$0x1], $0xffff  }
0x49: {  	v2 =	vld.idx.msk [tilespmem:v1+s22+$0xFFFFFFC0 ss:$0x1], $0xffff  }
0x4a: {  	s31 =	sshll.u32 s15, $0xE;
	v3 =	vld.idx.msk [tilespmem:v1+s22+$0xFFFFFFD0 ss:$0x1], $0xffff  }
0x4b: {  	s20 =	sand.u32 $0x4000, s31;
	v5 =	vld.idx.msk [tilespmem:v1+s22+$0xFFFFFFE0 ss:$0x1], $0xffff;
	[tilespmem:v0+s22+$0x30 ss:$0x1] =	vst.idx.msk $0xffff, v7  }
0x4c: {  	s23 =	simm.s32 $0x400;
	s21 =	simm.s32 $0x80;
	s20 =	sor.u32 $0x8000, s20;
	[tilespmem:v0+s22+$0xFFFFFFC0 ss:$0x1] =	vst.idx.msk $0xffff, v8;
	v7 =	vld.idx.msk [tilespmem:v1+s22+$0xFFFFFFF0 ss:$0x1], $0xffff  }
.LBB1_3:
0x4d: {  	p0 =	sne.s32 s23, $0xFE00;
	v8 =	vld.idx.msk [tilespmem:v1+s21+$0x0 ss:$0x1], $0xffff;
	[tilespmem:v0+s22+$0xFFFFFFD0 ss:$0x1] =	vst.idx.msk $0xffff, v6  }
0x4e: {  	v9 =	vld.idx.msk [tilespmem:v1+s21+$0xFFFFFF90 ss:$0x1], $0xffff;
	[tilespmem:v0+s22+$0xFFFFFFE0 ss:$0x1] =	vst.idx.msk $0xffff, v4  }
0x4f: {  	v6 =	vld.idx.msk [tilespmem:v1+s21+$0xFFFFFFA0 ss:$0x1], $0xffff;
	[tilespmem:v0+s22+$0xFFFFFFF0 ss:$0x1] =	vst.idx.msk $0xffff, v2  }
.Ltmp3:
0x50: {  	v4 =	vld.idx.msk [tilespmem:v1+s21+$0xFFFFFFB0 ss:$0x1], $0xffff;
	[tilespmem:v0+s22+$0x0 ss:$0x1] =	vst.idx.msk $0xffff, v3;
	(pc) =	sbr.rel @p0 .LBB1_3-.Ltmp3, $4  }
0x51: {  	v2 =	vld.idx.msk [tilespmem:v1+s21+$0xFFFFFFC0 ss:$0x1], $0xffff;
	[tilespmem:v0+s22+$0x10 ss:$0x1] =	vst.idx.msk $0xffff, v5  }
0x52: {  	v3 =	vld.idx.msk [tilespmem:v1+s21+$0xFFFFFFD0 ss:$0x1], $0xffff;
	[tilespmem:v0+s22+$0x20 ss:$0x1] =	vst.idx.msk $0xffff, v7;
	s22 =	smov.u32 s21  }
0x53: {  	v5 =	vld.idx.msk [tilespmem:v1+s22+$0xFFFFFFE0 ss:$0x1], $0xffff;
	[tilespmem:v0+s22+$0x30 ss:$0x1] =	vst.idx.msk $0xffff, v8  }
0x54: {  	s21 =	sshra.s32 s23, $0x2;
	s23 =	sadd.s32 $0x200, s23;
	[tilespmem:v0+s22+$0xFFFFFFC0 ss:$0x1] =	vst.idx.msk $0xffff, v9;
	v7 =	vld.idx.msk [tilespmem:v1+s22+$0xFFFFFFF0 ss:$0x1], $0xffff  }
.Ltmp4:
0x55: {  	_ = 	snop;
	(pc) =	sbr.rel .LBB1_4-.Ltmp4, $1  }
0x56: {  	_ =	sdelay $0x3  }
.LBB1_6:
0x57: {  	_ =	sfence.sel $0x180000  }
0x58: {  	s2 =	simm.s32 $0x1;
	[bflag:$0x0] =	sbarrier.arrive $0xFFFF  }
0x59: {  	s31 =	simm.s32 $0x2;
	[sflag:s2] =	ssyncpa.u1 $0x1  }
0x5a: {  	[sflag:s31] =	ssyncpa.u1 $0x1  }
0x5b: {  	p0 =	sne.s32 s0, $0x0;
	_ =	strace $0x9000004A  }
0x5c: {  	s0 =	sadd.s32 @!p0 $0x100000, s1;
	[bflag:$0x2] =	sbarrier.arrive $0xFFFF  }
0x5d: {  	[sflag:s0] =	ssyncadd.tile.s32 @!p0 $0x1;
	_ =	shalt  }
.Lfunc_end1:
_tile_overlayer_lowered:
.L_overlay_start_2:
0x5e: {  	(tag) =	ssettag $0x2  }
0x5f: {  	s0 =	rddreg [dreg:$0x0];
	s2 =	stileid.u32  }
0x60: {  	s1 =	rddreg [dreg:$0x1];
	p0 =	sne.s32 s2, $0x0  }
0x61: {  	s3 =	rddreg [dreg:$0x2];
	[bflag:$0x3] =	sbarrier.arrive $0xFFFF;
	s2 =	simm.s32 @!p0 $0x1C01  }
0x62: {  	[timem:s3], [sflag:s2] =	dma.local @!p0 [hbm:s0], s1  }
0x63: {  	s0 =	simm.s32 @!p0 $0x1  }
0x64: {  	_ =	swait.ge @!p0 [sflag:s0], s1  }
0x65: {  	s1 =	ssub.s32 @!p0 $0x0, s1;
	[sflag:s0] =	ssyncset.done @!p0 $0x0  }
0x66: {  	[sflag:s0] =	ssyncadd.s32 @!p0 s1  }
0x67: {  	[bflag:$0x3] =	sbarrier.arrive $0xFFFF  }
0x68: {  	_ =	shalt  }

</sc_bundles>
